<compile_context>
chip_gen: v7x
topology: tpu7x:2x2x1
jax: 0.10.2.dev20260603
libtpu: 0.0.44.dev20260713+nightly
codegen_flags: <defaults>
</compile_context>

<pallas_src>
import jax
import jax.numpy as jnp
from jax import lax
from jax.experimental import pallas as pl
from jax.experimental.pallas import tpu as pltpu
from jax.experimental.pallas import tpu_sc as plsc

NC = 2
NS = 16
NW = NC * NS

EMBED = 128
NBUF = 8


def _embed_body(tok_hbm, table_hbm, out_hbm, idx_v, bufs, gsem, wsem,
                seq_per_w, seq_len):
    wid = lax.axis_index("s") * NC + lax.axis_index("c")
    pltpu.sync_copy(tok_hbm.at[wid], idx_v)
    seq0 = wid * seq_per_w

    def g_copy(j, b):
        return pltpu.make_async_copy(
            table_hbm.at[idx_v.at[j, pl.ds(0, seq_len)]], bufs.at[b],
            gsem.at[b])

    def w_copy(j, b):
        return pltpu.make_async_copy(
            bufs.at[b], out_hbm.at[seq0 + j], wsem.at[b])

    for b in range(NBUF):
        g_copy(b, b).start()

    @pl.loop(0, seq_per_w, step=NBUF)
    def _(j0):
        for b in range(NBUF):
            j = j0 + b
            g_copy(j, b).wait()
            w_copy(j, b).start()

            @pl.when(j + NBUF < seq_per_w)
            def _():
                w_copy(j, b).wait()
                g_copy(j + NBUF, b).start()

    for b in range(NBUF):
        w_copy(seq_per_w - NBUF + b, b).wait()


def kernel(tokens, table):
    n_seq, seq_len = tokens.shape
    assert n_seq % NW == 0
    seq_per_w = n_seq // NW
    assert seq_per_w % NBUF == 0
    tok_pad = jnp.zeros((n_seq, 128), jnp.int32)
    tok_pad = lax.dynamic_update_slice(
        tok_pad, tokens.astype(jnp.int32), (0, 0))
    tok_cube = tok_pad.reshape(NW, seq_per_w, 128)

    mesh = plsc.VectorSubcoreMesh(
        core_axis_name="c", subcore_axis_name="s",
        num_cores=NC, num_subcores=NS)

    def body(tok_hbm, table_hbm, out_hbm, idx_v, bufs, gsem, wsem):
        _embed_body(tok_hbm, table_hbm, out_hbm, idx_v, bufs, gsem, wsem,
                    seq_per_w, seq_len)

    out = pl.kernel(
        body,
        out_type=jax.ShapeDtypeStruct((n_seq, seq_len, EMBED), jnp.float32),
        mesh=mesh,
        compiler_params=pltpu.CompilerParams(use_tc_tiling_on_sc=True),
        scratch_types=[
            pltpu.VMEM((seq_per_w, 128), jnp.int32),
            pltpu.VMEM((NBUF, seq_len, EMBED), jnp.float32),
            pltpu.SemaphoreType.DMA((NBUF,)),
            pltpu.SemaphoreType.DMA((NBUF,)),
        ],
    )(tok_cube, table)
    return out

# --- scband reference (transcript-rebuilt; emitter-appended) ---
"""Pipeline reference for scband-token-embedder-7078106104076 (READ-ONLY COPY).

The authoritative reference and input builder live on the scoring server;
editing this copy changes nothing except your own understanding.
"""

import jax, jax.numpy as jnp
import numpy as np

VOCAB = 100000
EMBED_DIM = 128

def setup_inputs(seed: int = 0) -> dict:
    key = jax.random.key(seed)
    k1, k2 = jax.random.split(key)
    tokens = jax.random.randint(k1, (4096, 50), 0, VOCAB, dtype=jnp.int64 if jax.config.jax_enable_x64 else jnp.int32)
    table = jax.random.normal(k2, (VOCAB, EMBED_DIM), dtype=jnp.float32) * 0.02
    return {"tokens": tokens, "table": table}

def reference(tokens, table):
    # nn.Embedding lookup: gather rows from the table.
    embeddings = jnp.take(table, tokens, axis=0)
    # Dropout in eval mode / deterministic reference is the identity.
    return embeddings

if __name__ == "__main__":
    import jax
    _d = setup_inputs()
    print(jax.jit(kernel)(*tuple(_d.values())))

</pallas_src>

<mosaic_0001>
#map = affine_map<(d0, d1) -> (0, 0, 0)>
#map1 = affine_map<(d0, d1) -> (0, 0)>
module attributes {stable_mosaic.version = 14 : i64} {
  func.func @body(%arg0: i32, %arg1: i32, %arg2: memref<32x128x128xi32, #tpu.memory_space<hbm>>, %arg3: memref<100000x128xf32, #tpu.memory_space<hbm>>, %arg4: memref<4096x50x128xf32, #tpu.memory_space<hbm>>, %arg5: memref<128x128xi32, #tpu.memory_space<vmem>>, %arg6: memref<8x50x128xf32, #tpu.memory_space<vmem>>, %arg7: memref<8x!tpu.dma_semaphore, #tpu.memory_space<semaphore_mem>>, %arg8: memref<8x!tpu.dma_semaphore, #tpu.memory_space<semaphore_mem>>) attributes {dimension_semantics = [#tpu.dimension_semantics<core_parallel>, #tpu.dimension_semantics<subcore_parallel>], iteration_bounds = array<i64: 2, 16>, scalar_prefetch = 0 : i64, scratch_operands = 4 : i64, tpu.core_type = #tpu.core_type<sc_vector_subcore>, window_params = [{transform_indices = #map}, {transform_indices = #map1}, {transform_indices = #map}]} {
    %mul3A = arith.constant 2 : i32
    %mul3A_0 = arith.muli %arg1, %mul3A : i32
    %add3A = arith.addi %mul3A_0, %arg0 : i32
    "tpu.region"() ({
      %run_scoped3A = tpu.sem_alloc : memref<!tpu.dma_semaphore, #tpu.memory_space<semaphore_mem>>
      %dma_start3A_301 = arith.constant 0 : i32
      %dma_start3A_302 = arith.constant 0 : i32
      %dma_start3A_303 = tpu.memref_slice %arg2[%add3A, %dma_start3A_301, %dma_start3A_302] : memref<32x128x128xi32, #tpu.memory_space<hbm>> -> memref<1x128x128xi32, #tpu.memory_space<hbm>>
      %dma_start3A_304 = tpu.memref_squeeze %dma_start3A_303 : memref<1x128x128xi32, #tpu.memory_space<hbm>> -> memref<128x128xi32, #tpu.memory_space<hbm>>
      %dma_start3A_305 = arith.constant 0 : i32
      %dma_start3A_306 = arith.constant 0 : i32
      %dma_start3A_307 = tpu.memref_slice %arg2[%add3A, %dma_start3A_305, %dma_start3A_306] : memref<32x128x128xi32, #tpu.memory_space<hbm>> -> memref<1x128x128xi32, #tpu.memory_space<hbm>>
      %dma_start3A_308 = tpu.memref_squeeze %dma_start3A_307 : memref<1x128x128xi32, #tpu.memory_space<hbm>> -> memref<128x128xi32, #tpu.memory_space<hbm>>
      tpu.enqueue_dma source(%dma_start3A_308 : memref<128x128xi32, #tpu.memory_space<hbm>>) target(%arg5 : memref<128x128xi32, #tpu.memory_space<vmem>>) target_semaphore(%run_scoped3A : memref<!tpu.dma_semaphore, #tpu.memory_space<semaphore_mem>>)
      %dma_wait3A_309 = arith.constant 0 : i32
      %dma_wait3A_310 = arith.constant 0 : i32
      %dma_wait3A_311 = tpu.memref_slice %arg2[%add3A, %dma_wait3A_309, %dma_wait3A_310] : memref<32x128x128xi32, #tpu.memory_space<hbm>> -> memref<1x128x128xi32, #tpu.memory_space<hbm>>
      %dma_wait3A_312 = tpu.memref_squeeze %dma_wait3A_311 : memref<1x128x128xi32, #tpu.memory_space<hbm>> -> memref<128x128xi32, #tpu.memory_space<hbm>>
      %dma_wait3A_313 = arith.constant 0 : i32
      %dma_wait3A_314 = arith.constant 0 : i32
      %dma_wait3A_315 = tpu.memref_slice %arg2[%add3A, %dma_wait3A_313, %dma_wait3A_314] : memref<32x128x128xi32, #tpu.memory_space<hbm>> -> memref<1x128x128xi32, #tpu.memory_space<hbm>>
      %dma_wait3A_316 = tpu.memref_squeeze %dma_wait3A_315 : memref<1x128x128xi32, #tpu.memory_space<hbm>> -> memref<128x128xi32, #tpu.memory_space<hbm>>
      tpu.wait_dma2 semaphore(%run_scoped3A : memref<!tpu.dma_semaphore, #tpu.memory_space<semaphore_mem>>) src(%dma_wait3A_316 : memref<128x128xi32, #tpu.memory_space<hbm>>) dst(%arg5 : memref<128x128xi32, #tpu.memory_space<vmem>>)
      tpu.yield
    }) : () -> ()
    %mul3A_1 = arith.constant 128 : i32
    %mul3A_2 = arith.muli %add3A, %mul3A_1 : i32
    %dma_start3A = arith.constant 0 : i32
    %dma_start3A_3 = arith.constant 0 : i32
    %dma_start3A_4 = arith.constant 0 : i32
    %dma_start3A_5 = arith.constant 0 : i32
    %dma_start3A_6 = arith.constant 0 : i32
    %dma_start3A_7 = tpu.memref_slice %arg6[%dma_start3A_3, %dma_start3A_5, %dma_start3A_6] : memref<8x50x128xf32, #tpu.memory_space<vmem>> -> memref<1x50x128xf32, #tpu.memory_space<vmem>>
    %dma_start3A_8 = tpu.memref_squeeze %dma_start3A_7 : memref<1x50x128xf32, #tpu.memory_space<vmem>> -> memref<50x128xf32, #tpu.memory_space<vmem>>
    %dma_start3A_9 = arith.constant 0 : i32
    %dma_start3A_10 = tpu.memref_slice %arg5[%dma_start3A, %dma_start3A_9] : memref<128x128xi32, #tpu.memory_space<vmem>> -> memref<1x50xi32, #tpu.memory_space<vmem>>
    %dma_start3A_11 = tpu.memref_squeeze %dma_start3A_10 : memref<1x50xi32, #tpu.memory_space<vmem>> -> memref<50xi32, #tpu.memory_space<vmem>>
    %dma_start3A_12 = arith.constant 0 : i32
    %dma_start3A_13 = arith.constant 0 : i32
    %dma_start3A_14 = tpu.memref_slice %arg3[%dma_start3A_12, %dma_start3A_13] : memref<100000x128xf32, #tpu.memory_space<hbm>> -> memref<100000x128xf32, #tpu.memory_space<hbm>>
    %dma_start3A_15 = tpu.memref_slice %arg7[%dma_start3A_4] : memref<8x!tpu.dma_semaphore, #tpu.memory_space<semaphore_mem>> -> memref<1x!tpu.dma_semaphore, #tpu.memory_space<semaphore_mem>>
    %dma_start3A_16 = tpu.memref_squeeze %dma_start3A_15 : memref<1x!tpu.dma_semaphore, #tpu.memory_space<semaphore_mem>> -> memref<!tpu.dma_semaphore, #tpu.memory_space<semaphore_mem>>
    tpu.enqueue_indirect_dma source(%dma_start3A_14 : memref<100000x128xf32, #tpu.memory_space<hbm>>) target(%dma_start3A_8 : memref<50x128xf32, #tpu.memory_space<vmem>>) offsets(%dma_start3A_11 : memref<50xi32, #tpu.memory_space<vmem>>) semaphore(%dma_start3A_16 : memref<!tpu.dma_semaphore, #tpu.memory_space<semaphore_mem>>)
    %dma_start3A_17 = arith.constant 1 : i32
    %dma_start3A_18 = arith.constant 1 : i32
    %dma_start3A_19 = arith.constant 1 : i32
    %dma_start3A_20 = arith.constant 0 : i32
    %dma_start3A_21 = arith.constant 0 : i32
    %dma_start3A_22 = tpu.memref_slice %arg6[%dma_start3A_18, %dma_start3A_20, %dma_start3A_21] : memref<8x50x128xf32, #tpu.memory_space<vmem>> -> memref<1x50x128xf32, #tpu.memory_space<vmem>>
    %dma_start3A_23 = tpu.memref_squeeze %dma_start3A_22 : memref<1x50x128xf32, #tpu.memory_space<vmem>> -> memref<50x128xf32, #tpu.memory_space<vmem>>
    %dma_start3A_24 = arith.constant 0 : i32
    %dma_start3A_25 = tpu.memref_slice %arg5[%dma_start3A_17, %dma_start3A_24] : memref<128x128xi32, #tpu.memory_space<vmem>> -> memref<1x50xi32, #tpu.memory_space<vmem>>
    %dma_start3A_26 = tpu.memref_squeeze %dma_start3A_25 : memref<1x50xi32, #tpu.memory_space<vmem>> -> memref<50xi32, #tpu.memory_space<vmem>>
    %dma_start3A_27 = arith.constant 0 : i32
    %dma_start3A_28 = arith.constant 0 : i32
    %dma_start3A_29 = tpu.memref_slice %arg3[%dma_start3A_27, %dma_start3A_28] : memref<100000x128xf32, #tpu.memory_space<hbm>> -> memref<100000x128xf32, #tpu.memory_space<hbm>>
    %dma_start3A_30 = tpu.memref_slice %arg7[%dma_start3A_19] : memref<8x!tpu.dma_semaphore, #tpu.memory_space<semaphore_mem>> -> memref<1x!tpu.dma_semaphore, #tpu.memory_space<semaphore_mem>>
    %dma_start3A_31 = tpu.memref_squeeze %dma_start3A_30 : memref<1x!tpu.dma_semaphore, #tpu.memory_space<semaphore_mem>> -> memref<!tpu.dma_semaphore, #tpu.memory_space<semaphore_mem>>
    tpu.enqueue_indirect_dma source(%dma_start3A_29 : memref<100000x128xf32, #tpu.memory_space<hbm>>) target(%dma_start3A_23 : memref<50x128xf32, #tpu.memory_space<vmem>>) offsets(%dma_start3A_26 : memref<50xi32, #tpu.memory_space<vmem>>) semaphore(%dma_start3A_31 : memref<!tpu.dma_semaphore, #tpu.memory_space<semaphore_mem>>)
    %dma_start3A_32 = arith.constant 2 : i32
    %dma_start3A_33 = arith.constant 2 : i32
    %dma_start3A_34 = arith.constant 2 : i32
    %dma_start3A_35 = arith.constant 0 : i32
    %dma_start3A_36 = arith.constant 0 : i32
    %dma_start3A_37 = tpu.memref_slice %arg6[%dma_start3A_33, %dma_start3A_35, %dma_start3A_36] : memref<8x50x128xf32, #tpu.memory_space<vmem>> -> memref<1x50x128xf32, #tpu.memory_space<vmem>>
    %dma_start3A_38 = tpu.memref_squeeze %dma_start3A_37 : memref<1x50x128xf32, #tpu.memory_space<vmem>> -> memref<50x128xf32, #tpu.memory_space<vmem>>
    %dma_start3A_39 = arith.constant 0 : i32
    %dma_start3A_40 = tpu.memref_slice %arg5[%dma_start3A_32, %dma_start3A_39] : memref<128x128xi32, #tpu.memory_space<vmem>> -> memref<1x50xi32, #tpu.memory_space<vmem>>
    %dma_start3A_41 = tpu.memref_squeeze %dma_start3A_40 : memref<1x50xi32, #tpu.memory_space<vmem>> -> memref<50xi32, #tpu.memory_space<vmem>>
    %dma_start3A_42 = arith.constant 0 : i32
    %dma_start3A_43 = arith.constant 0 : i32
    %dma_start3A_44 = tpu.memref_slice %arg3[%dma_start3A_42, %dma_start3A_43] : memref<100000x128xf32, #tpu.memory_space<hbm>> -> memref<100000x128xf32, #tpu.memory_space<hbm>>
    %dma_start3A_45 = tpu.memref_slice %arg7[%dma_start3A_34] : memref<8x!tpu.dma_semaphore, #tpu.memory_space<semaphore_mem>> -> memref<1x!tpu.dma_semaphore, #tpu.memory_space<semaphore_mem>>
    %dma_start3A_46 = tpu.memref_squeeze %dma_start3A_45 : memref<1x!tpu.dma_semaphore, #tpu.memory_space<semaphore_mem>> -> memref<!tpu.dma_semaphore, #tpu.memory_space<semaphore_mem>>
    tpu.enqueue_indirect_dma source(%dma_start3A_44 : memref<100000x128xf32, #tpu.memory_space<hbm>>) target(%dma_start3A_38 : memref<50x128xf32, #tpu.memory_space<vmem>>) offsets(%dma_start3A_41 : memref<50xi32, #tpu.memory_space<vmem>>) semaphore(%dma_start3A_46 : memref<!tpu.dma_semaphore, #tpu.memory_space<semaphore_mem>>)
    %dma_start3A_47 = arith.constant 3 : i32
    %dma_start3A_48 = arith.constant 3 : i32
    %dma_start3A_49 = arith.constant 3 : i32
    %dma_start3A_50 = arith.constant 0 : i32
    %dma_start3A_51 = arith.constant 0 : i32
    %dma_start3A_52 = tpu.memref_slice %arg6[%dma_start3A_48, %dma_start3A_50, %dma_start3A_51] : memref<8x50x128xf32, #tpu.memory_space<vmem>> -> memref<1x50x128xf32, #tpu.memory_space<vmem>>
    %dma_start3A_53 = tpu.memref_squeeze %dma_start3A_52 : memref<1x50x128xf32, #tpu.memory_space<vmem>> -> memref<50x128xf32, #tpu.memory_space<vmem>>
    %dma_start3A_54 = arith.constant 0 : i32
    %dma_start3A_55 = tpu.memref_slice %arg5[%dma_start3A_47, %dma_start3A_54] : memref<128x128xi32, #tpu.memory_space<vmem>> -> memref<1x50xi32, #tpu.memory_space<vmem>>
    %dma_start3A_56 = tpu.memref_squeeze %dma_start3A_55 : memref<1x50xi32, #tpu.memory_space<vmem>> -> memref<50xi32, #tpu.memory_space<vmem>>
    %dma_start3A_57 = arith.constant 0 : i32
    %dma_start3A_58 = arith.constant 0 : i32
    %dma_start3A_59 = tpu.memref_slice %arg3[%dma_start3A_57, %dma_start3A_58] : memref<100000x128xf32, #tpu.memory_space<hbm>> -> memref<100000x128xf32, #tpu.memory_space<hbm>>
    %dma_start3A_60 = tpu.memref_slice %arg7[%dma_start3A_49] : memref<8x!tpu.dma_semaphore, #tpu.memory_space<semaphore_mem>> -> memref<1x!tpu.dma_semaphore, #tpu.memory_space<semaphore_mem>>
    %dma_start3A_61 = tpu.memref_squeeze %dma_start3A_60 : memref<1x!tpu.dma_semaphore, #tpu.memory_space<semaphore_mem>> -> memref<!tpu.dma_semaphore, #tpu.memory_space<semaphore_mem>>
    tpu.enqueue_indirect_dma source(%dma_start3A_59 : memref<100000x128xf32, #tpu.memory_space<hbm>>) target(%dma_start3A_53 : memref<50x128xf32, #tpu.memory_space<vmem>>) offsets(%dma_start3A_56 : memref<50xi32, #tpu.memory_space<vmem>>) semaphore(%dma_start3A_61 : memref<!tpu.dma_semaphore, #tpu.memory_space<semaphore_mem>>)
    %dma_start3A_62 = arith.constant 4 : i32
    %dma_start3A_63 = arith.constant 4 : i32
    %dma_start3A_64 = arith.constant 4 : i32
    %dma_start3A_65 = arith.constant 0 : i32
    %dma_start3A_66 = arith.constant 0 : i32
    %dma_start3A_67 = tpu.memref_slice %arg6[%dma_start3A_63, %dma_start3A_65, %dma_start3A_66] : memref<8x50x128xf32, #tpu.memory_space<vmem>> -> memref<1x50x128xf32, #tpu.memory_space<vmem>>
    %dma_start3A_68 = tpu.memref_squeeze %dma_start3A_67 : memref<1x50x128xf32, #tpu.memory_space<vmem>> -> memref<50x128xf32, #tpu.memory_space<vmem>>
    %dma_start3A_69 = arith.constant 0 : i32
    %dma_start3A_70 = tpu.memref_slice %arg5[%dma_start3A_62, %dma_start3A_69] : memref<128x128xi32, #tpu.memory_space<vmem>> -> memref<1x50xi32, #tpu.memory_space<vmem>>
    %dma_start3A_71 = tpu.memref_squeeze %dma_start3A_70 : memref<1x50xi32, #tpu.memory_space<vmem>> -> memref<50xi32, #tpu.memory_space<vmem>>
    %dma_start3A_72 = arith.constant 0 : i32
    %dma_start3A_73 = arith.constant 0 : i32
    %dma_start3A_74 = tpu.memref_slice %arg3[%dma_start3A_72, %dma_start3A_73] : memref<100000x128xf32, #tpu.memory_space<hbm>> -> memref<100000x128xf32, #tpu.memory_space<hbm>>
    %dma_start3A_75 = tpu.memref_slice %arg7[%dma_start3A_64] : memref<8x!tpu.dma_semaphore, #tpu.memory_space<semaphore_mem>> -> memref<1x!tpu.dma_semaphore, #tpu.memory_space<semaphore_mem>>
    %dma_start3A_76 = tpu.memref_squeeze %dma_start3A_75 : memref<1x!tpu.dma_semaphore, #tpu.memory_space<semaphore_mem>> -> memref<!tpu.dma_semaphore, #tpu.memory_space<semaphore_mem>>
    tpu.enqueue_indirect_dma source(%dma_start3A_74 : memref<100000x128xf32, #tpu.memory_space<hbm>>) target(%dma_start3A_68 : memref<50x128xf32, #tpu.memory_space<vmem>>) offsets(%dma_start3A_71 : memref<50xi32, #tpu.memory_space<vmem>>) semaphore(%dma_start3A_76 : memref<!tpu.dma_semaphore, #tpu.memory_space<semaphore_mem>>)
    %dma_start3A_77 = arith.constant 5 : i32
    %dma_start3A_78 = arith.constant 5 : i32
    %dma_start3A_79 = arith.constant 5 : i32
    %dma_start3A_80 = arith.constant 0 : i32
    %dma_start3A_81 = arith.constant 0 : i32
    %dma_start3A_82 = tpu.memref_slice %arg6[%dma_start3A_78, %dma_start3A_80, %dma_start3A_81] : memref<8x50x128xf32, #tpu.memory_space<vmem>> -> memref<1x50x128xf32, #tpu.memory_space<vmem>>
    %dma_start3A_83 = tpu.memref_squeeze %dma_start3A_82 : memref<1x50x128xf32, #tpu.memory_space<vmem>> -> memref<50x128xf32, #tpu.memory_space<vmem>>
    %dma_start3A_84 = arith.constant 0 : i32
    %dma_start3A_85 = tpu.memref_slice %arg5[%dma_start3A_77, %dma_start3A_84] : memref<128x128xi32, #tpu.memory_space<vmem>> -> memref<1x50xi32, #tpu.memory_space<vmem>>
    %dma_start3A_86 = tpu.memref_squeeze %dma_start3A_85 : memref<1x50xi32, #tpu.memory_space<vmem>> -> memref<50xi32, #tpu.memory_space<vmem>>
    %dma_start3A_87 = arith.constant 0 : i32
    %dma_start3A_88 = arith.constant 0 : i32
    %dma_start3A_89 = tpu.memref_slice %arg3[%dma_start3A_87, %dma_start3A_88] : memref<100000x128xf32, #tpu.memory_space<hbm>> -> memref<100000x128xf32, #tpu.memory_space<hbm>>
    %dma_start3A_90 = tpu.memref_slice %arg7[%dma_start3A_79] : memref<8x!tpu.dma_semaphore, #tpu.memory_space<semaphore_mem>> -> memref<1x!tpu.dma_semaphore, #tpu.memory_space<semaphore_mem>>
    %dma_start3A_91 = tpu.memref_squeeze %dma_start3A_90 : memref<1x!tpu.dma_semaphore, #tpu.memory_space<semaphore_mem>> -> memref<!tpu.dma_semaphore, #tpu.memory_space<semaphore_mem>>
    tpu.enqueue_indirect_dma source(%dma_start3A_89 : memref<100000x128xf32, #tpu.memory_space<hbm>>) target(%dma_start3A_83 : memref<50x128xf32, #tpu.memory_space<vmem>>) offsets(%dma_start3A_86 : memref<50xi32, #tpu.memory_space<vmem>>) semaphore(%dma_start3A_91 : memref<!tpu.dma_semaphore, #tpu.memory_space<semaphore_mem>>)
    %dma_start3A_92 = arith.constant 6 : i32
    %dma_start3A_93 = arith.constant 6 : i32
    %dma_start3A_94 = arith.constant 6 : i32
    %dma_start3A_95 = arith.constant 0 : i32
    %dma_start3A_96 = arith.constant 0 : i32
    %dma_start3A_97 = tpu.memref_slice %arg6[%dma_start3A_93, %dma_start3A_95, %dma_start3A_96] : memref<8x50x128xf32, #tpu.memory_space<vmem>> -> memref<1x50x128xf32, #tpu.memory_space<vmem>>
    %dma_start3A_98 = tpu.memref_squeeze %dma_start3A_97 : memref<1x50x128xf32, #tpu.memory_space<vmem>> -> memref<50x128xf32, #tpu.memory_space<vmem>>
    %dma_start3A_99 = arith.constant 0 : i32
    %dma_start3A_100 = tpu.memref_slice %arg5[%dma_start3A_92, %dma_start3A_99] : memref<128x128xi32, #tpu.memory_space<vmem>> -> memref<1x50xi32, #tpu.memory_space<vmem>>
    %dma_start3A_101 = tpu.memref_squeeze %dma_start3A_100 : memref<1x50xi32, #tpu.memory_space<vmem>> -> memref<50xi32, #tpu.memory_space<vmem>>
    %dma_start3A_102 = arith.constant 0 : i32
    %dma_start3A_103 = arith.constant 0 : i32
    %dma_start3A_104 = tpu.memref_slice %arg3[%dma_start3A_102, %dma_start3A_103] : memref<100000x128xf32, #tpu.memory_space<hbm>> -> memref<100000x128xf32, #tpu.memory_space<hbm>>
    %dma_start3A_105 = tpu.memref_slice %arg7[%dma_start3A_94] : memref<8x!tpu.dma_semaphore, #tpu.memory_space<semaphore_mem>> -> memref<1x!tpu.dma_semaphore, #tpu.memory_space<semaphore_mem>>
    %dma_start3A_106 = tpu.memref_squeeze %dma_start3A_105 : memref<1x!tpu.dma_semaphore, #tpu.memory_space<semaphore_mem>> -> memref<!tpu.dma_semaphore, #tpu.memory_space<semaphore_mem>>
    tpu.enqueue_indirect_dma source(%dma_start3A_104 : memref<100000x128xf32, #tpu.memory_space<hbm>>) target(%dma_start3A_98 : memref<50x128xf32, #tpu.memory_space<vmem>>) offsets(%dma_start3A_101 : memref<50xi32, #tpu.memory_space<vmem>>) semaphore(%dma_start3A_106 : memref<!tpu.dma_semaphore, #tpu.memory_space<semaphore_mem>>)
    %dma_start3A_107 = arith.constant 7 : i32
    %dma_start3A_108 = arith.constant 7 : i32
    %dma_start3A_109 = arith.constant 7 : i32
    %dma_start3A_110 = arith.constant 0 : i32
    %dma_start3A_111 = arith.constant 0 : i32
    %dma_start3A_112 = tpu.memref_slice %arg6[%dma_start3A_108, %dma_start3A_110, %dma_start3A_111] : memref<8x50x128xf32, #tpu.memory_space<vmem>> -> memref<1x50x128xf32, #tpu.memory_space<vmem>>
    %dma_start3A_113 = tpu.memref_squeeze %dma_start3A_112 : memref<1x50x128xf32, #tpu.memory_space<vmem>> -> memref<50x128xf32, #tpu.memory_space<vmem>>
    %dma_start3A_114 = arith.constant 0 : i32
    %dma_start3A_115 = tpu.memref_slice %arg5[%dma_start3A_107, %dma_start3A_114] : memref<128x128xi32, #tpu.memory_space<vmem>> -> memref<1x50xi32, #tpu.memory_space<vmem>>
    %dma_start3A_116 = tpu.memref_squeeze %dma_start3A_115 : memref<1x50xi32, #tpu.memory_space<vmem>> -> memref<50xi32, #tpu.memory_space<vmem>>
    %dma_start3A_117 = arith.constant 0 : i32
    %dma_start3A_118 = arith.constant 0 : i32
    %dma_start3A_119 = tpu.memref_slice %arg3[%dma_start3A_117, %dma_start3A_118] : memref<100000x128xf32, #tpu.memory_space<hbm>> -> memref<100000x128xf32, #tpu.memory_space<hbm>>
    %dma_start3A_120 = tpu.memref_slice %arg7[%dma_start3A_109] : memref<8x!tpu.dma_semaphore, #tpu.memory_space<semaphore_mem>> -> memref<1x!tpu.dma_semaphore, #tpu.memory_space<semaphore_mem>>
    %dma_start3A_121 = tpu.memref_squeeze %dma_start3A_120 : memref<1x!tpu.dma_semaphore, #tpu.memory_space<semaphore_mem>> -> memref<!tpu.dma_semaphore, #tpu.memory_space<semaphore_mem>>
    tpu.enqueue_indirect_dma source(%dma_start3A_119 : memref<100000x128xf32, #tpu.memory_space<hbm>>) target(%dma_start3A_113 : memref<50x128xf32, #tpu.memory_space<vmem>>) offsets(%dma_start3A_116 : memref<50xi32, #tpu.memory_space<vmem>>) semaphore(%dma_start3A_121 : memref<!tpu.dma_semaphore, #tpu.memory_space<semaphore_mem>>)
    %scan3A = arith.constant 0 : i32
    %scan3A_122 = arith.constant 16 : i32
    %scan3A_123 = arith.addi %scan3A, %scan3A_122 : i32
    %scan3A_124 = arith.constant 1 : i32
    scf.for %scan3A_301 = %scan3A to %scan3A_123 step %scan3A_124  : i32 {
      %mul3A_302 = arith.constant 8 : i32
      %mul3A_303 = arith.muli %scan3A_301, %mul3A_302 : i32
      %add3A_304 = arith.constant 0 : i32
      %add3A_305 = arith.addi %add3A_304, %mul3A_303 : i32
      %add3A_306 = arith.constant 0 : i32
      %add3A_307 = arith.addi %add3A_305, %add3A_306 : i32
      %dma_wait3A_308 = arith.constant 0 : i32
      %dma_wait3A_309 = arith.constant 0 : i32
      %dma_wait3A_310 = arith.constant 0 : i32
      %dma_wait3A_311 = arith.constant 0 : i32
      %dma_wait3A_312 = tpu.memref_slice %arg6[%dma_wait3A_308, %dma_wait3A_310, %dma_wait3A_311] : memref<8x50x128xf32, #tpu.memory_space<vmem>> -> memref<1x50x128xf32, #tpu.memory_space<vmem>>
      %dma_wait3A_313 = tpu.memref_squeeze %dma_wait3A_312 : memref<1x50x128xf32, #tpu.memory_space<vmem>> -> memref<50x128xf32, #tpu.memory_space<vmem>>
      %dma_wait3A_314 = arith.constant 0 : i32
      %dma_wait3A_315 = tpu.memref_slice %arg5[%add3A_307, %dma_wait3A_314] : memref<128x128xi32, #tpu.memory_space<vmem>> -> memref<1x50xi32, #tpu.memory_space<vmem>>
      %dma_wait3A_316 = tpu.memref_squeeze %dma_wait3A_315 : memref<1x50xi32, #tpu.memory_space<vmem>> -> memref<50xi32, #tpu.memory_space<vmem>>
      %dma_wait3A_317 = arith.constant 0 : i32
      %dma_wait3A_318 = arith.constant 0 : i32
      %dma_wait3A_319 = tpu.memref_slice %arg3[%dma_wait3A_317, %dma_wait3A_318] : memref<100000x128xf32, #tpu.memory_space<hbm>> -> memref<100000x128xf32, #tpu.memory_space<hbm>>
      %dma_wait3A_320 = tpu.memref_slice %arg7[%dma_wait3A_309] : memref<8x!tpu.dma_semaphore, #tpu.memory_space<semaphore_mem>> -> memref<1x!tpu.dma_semaphore, #tpu.memory_space<semaphore_mem>>
      %dma_wait3A_321 = tpu.memref_squeeze %dma_wait3A_320 : memref<1x!tpu.dma_semaphore, #tpu.memory_space<semaphore_mem>> -> memref<!tpu.dma_semaphore, #tpu.memory_space<semaphore_mem>>
      tpu.wait_indirect_dma semaphore(%dma_wait3A_321 : memref<!tpu.dma_semaphore, #tpu.memory_space<semaphore_mem>>) src(%dma_wait3A_319 : memref<100000x128xf32, #tpu.memory_space<hbm>>) dst(%dma_wait3A_313 : memref<50x128xf32, #tpu.memory_space<vmem>>)
      %add3A_322 = arith.addi %mul3A_2, %add3A_307 : i32
      %dma_start3A_323 = arith.constant 0 : i32
      %dma_start3A_324 = arith.constant 0 : i32
      %dma_start3A_325 = arith.constant 0 : i32
      %dma_start3A_326 = arith.constant 0 : i32
      %dma_start3A_327 = tpu.memref_slice %arg6[%dma_start3A_323, %dma_start3A_325, %dma_start3A_326] : memref<8x50x128xf32, #tpu.memory_space<vmem>> -> memref<1x50x128xf32, #tpu.memory_space<vmem>>
      %dma_start3A_328 = tpu.memref_squeeze %dma_start3A_327 : memref<1x50x128xf32, #tpu.memory_space<vmem>> -> memref<50x128xf32, #tpu.memory_space<vmem>>
      %dma_start3A_329 = arith.constant 0 : i32
      %dma_start3A_330 = arith.constant 0 : i32
      %dma_start3A_331 = tpu.memref_slice %arg4[%add3A_322, %dma_start3A_329, %dma_start3A_330] : memref<4096x50x128xf32, #tpu.memory_space<hbm>> -> memref<1x50x128xf32, #tpu.memory_space<hbm>>
      %dma_start3A_332 = tpu.memref_squeeze %dma_start3A_331 : memref<1x50x128xf32, #tpu.memory_space<hbm>> -> memref<50x128xf32, #tpu.memory_space<hbm>>
      %dma_start3A_333 = tpu.memref_slice %arg8[%dma_start3A_324] : memref<8x!tpu.dma_semaphore, #tpu.memory_space<semaphore_mem>> -> memref<1x!tpu.dma_semaphore, #tpu.memory_space<semaphore_mem>>
      %dma_start3A_334 = tpu.memref_squeeze %dma_start3A_333 : memref<1x!tpu.dma_semaphore, #tpu.memory_space<semaphore_mem>> -> memref<!tpu.dma_semaphore, #tpu.memory_space<semaphore_mem>>
      %dma_start3A_335 = arith.constant 0 : i32
      %dma_start3A_336 = arith.constant 0 : i32
      %dma_start3A_337 = tpu.memref_slice %arg4[%add3A_322, %dma_start3A_335, %dma_start3A_336] : memref<4096x50x128xf32, #tpu.memory_space<hbm>> -> memref<1x50x128xf32, #tpu.memory_space<hbm>>
      %dma_start3A_338 = tpu.memref_squeeze %dma_start3A_337 : memref<1x50x128xf32, #tpu.memory_space<hbm>> -> memref<50x128xf32, #tpu.memory_space<hbm>>
      %dma_start3A_339 = arith.constant 0 : i32
      %dma_start3A_340 = arith.constant 0 : i32
      %dma_start3A_341 = tpu.memref_slice %arg6[%dma_start3A_323, %dma_start3A_339, %dma_start3A_340] : memref<8x50x128xf32, #tpu.memory_space<vmem>> -> memref<1x50x128xf32, #tpu.memory_space<vmem>>
      %dma_start3A_342 = tpu.memref_squeeze %dma_start3A_341 : memref<1x50x128xf32, #tpu.memory_space<vmem>> -> memref<50x128xf32, #tpu.memory_space<vmem>>
      tpu.enqueue_dma source(%dma_start3A_342 : memref<50x128xf32, #tpu.memory_space<vmem>>) target(%dma_start3A_338 : memref<50x128xf32, #tpu.memory_space<hbm>>) target_semaphore(%dma_start3A_334 : memref<!tpu.dma_semaphore, #tpu.memory_space<semaphore_mem>>)
      %add3A_343 = arith.constant 8 : i32
      %add3A_344 = arith.addi %add3A_307, %add3A_343 : i32
      %lt3A = arith.constant 128 : i32
      %lt3A_345 = arith.cmpi slt, %add3A_344, %lt3A : i32
      %convert_element_type3A = arith.extui %lt3A_345 : i1 to i32
      %cond3A = arith.constant 0 : i32
      %cond3A_346 = arith.cmpi ne, %convert_element_type3A, %cond3A : i32
      scf.if %cond3A_346 {
        %add3A_655 = arith.addi %mul3A_2, %add3A_307 : i32
        %dma_wait3A_656 = arith.constant 0 : i32
        %dma_wait3A_657 = arith.constant 0 : i32
        %dma_wait3A_658 = arith.constant 0 : i32
        %dma_wait3A_659 = arith.constant 0 : i32
        %dma_wait3A_660 = tpu.memref_slice %arg6[%dma_wait3A_656, %dma_wait3A_658, %dma_wait3A_659] : memref<8x50x128xf32, #tpu.memory_space<vmem>> -> memref<1x50x128xf32, #tpu.memory_space<vmem>>
        %dma_wait3A_661 = tpu.memref_squeeze %dma_wait3A_660 : memref<1x50x128xf32, #tpu.memory_space<vmem>> -> memref<50x128xf32, #tpu.memory_space<vmem>>
        %dma_wait3A_662 = arith.constant 0 : i32
        %dma_wait3A_663 = arith.constant 0 : i32
        %dma_wait3A_664 = tpu.memref_slice %arg4[%add3A_655, %dma_wait3A_662, %dma_wait3A_663] : memref<4096x50x128xf32, #tpu.memory_space<hbm>> -> memref<1x50x128xf32, #tpu.memory_space<hbm>>
        %dma_wait3A_665 = tpu.memref_squeeze %dma_wait3A_664 : memref<1x50x128xf32, #tpu.memory_space<hbm>> -> memref<50x128xf32, #tpu.memory_space<hbm>>
        %dma_wait3A_666 = tpu.memref_slice %arg8[%dma_wait3A_657] : memref<8x!tpu.dma_semaphore, #tpu.memory_space<semaphore_mem>> -> memref<1x!tpu.dma_semaphore, #tpu.memory_space<semaphore_mem>>
        %dma_wait3A_667 = tpu.memref_squeeze %dma_wait3A_666 : memref<1x!tpu.dma_semaphore, #tpu.memory_space<semaphore_mem>> -> memref<!tpu.dma_semaphore, #tpu.memory_space<semaphore_mem>>
        %dma_wait3A_668 = arith.constant 0 : i32
        %dma_wait3A_669 = arith.constant 0 : i32
        %dma_wait3A_670 = tpu.memref_slice %arg4[%add3A_655, %dma_wait3A_668, %dma_wait3A_669] : memref<4096x50x128xf32, #tpu.memory_space<hbm>> -> memref<1x50x128xf32, #tpu.memory_space<hbm>>
        %dma_wait3A_671 = tpu.memref_squeeze %dma_wait3A_670 : memref<1x50x128xf32, #tpu.memory_space<hbm>> -> memref<50x128xf32, #tpu.memory_space<hbm>>
        %dma_wait3A_672 = arith.constant 0 : i32
        %dma_wait3A_673 = arith.constant 0 : i32
        %dma_wait3A_674 = tpu.memref_slice %arg6[%dma_wait3A_656, %dma_wait3A_672, %dma_wait3A_673] : memref<8x50x128xf32, #tpu.memory_space<vmem>> -> memref<1x50x128xf32, #tpu.memory_space<vmem>>
        %dma_wait3A_675 = tpu.memref_squeeze %dma_wait3A_674 : memref<1x50x128xf32, #tpu.memory_space<vmem>> -> memref<50x128xf32, #tpu.memory_space<vmem>>
        tpu.wait_dma2 semaphore(%dma_wait3A_667 : memref<!tpu.dma_semaphore, #tpu.memory_space<semaphore_mem>>) src(%dma_wait3A_675 : memref<50x128xf32, #tpu.memory_space<vmem>>) dst(%dma_wait3A_671 : memref<50x128xf32, #tpu.memory_space<hbm>>)
        %add3A_676 = arith.constant 8 : i32
        %add3A_677 = arith.addi %add3A_307, %add3A_676 : i32
        %dma_start3A_678 = arith.constant 0 : i32
        %dma_start3A_679 = arith.constant 0 : i32
        %dma_start3A_680 = arith.constant 0 : i32
        %dma_start3A_681 = arith.constant 0 : i32
        %dma_start3A_682 = tpu.memref_slice %arg6[%dma_start3A_678, %dma_start3A_680, %dma_start3A_681] : memref<8x50x128xf32, #tpu.memory_space<vmem>> -> memref<1x50x128xf32, #tpu.memory_space<vmem>>
        %dma_start3A_683 = tpu.memref_squeeze %dma_start3A_682 : memref<1x50x128xf32, #tpu.memory_space<vmem>> -> memref<50x128xf32, #tpu.memory_space<vmem>>
        %dma_start3A_684 = arith.constant 0 : i32
        %dma_start3A_685 = tpu.memref_slice %arg5[%add3A_677, %dma_start3A_684] : memref<128x128xi32, #tpu.memory_space<vmem>> -> memref<1x50xi32, #tpu.memory_space<vmem>>
        %dma_start3A_686 = tpu.memref_squeeze %dma_start3A_685 : memref<1x50xi32, #tpu.memory_space<vmem>> -> memref<50xi32, #tpu.memory_space<vmem>>
        %dma_start3A_687 = arith.constant 0 : i32
        %dma_start3A_688 = arith.constant 0 : i32
        %dma_start3A_689 = tpu.memref_slice %arg3[%dma_start3A_687, %dma_start3A_688] : memref<100000x128xf32, #tpu.memory_space<hbm>> -> memref<100000x128xf32, #tpu.memory_space<hbm>>
        %dma_start3A_690 = tpu.memref_slice %arg7[%dma_start3A_679] : memref<8x!tpu.dma_semaphore, #tpu.memory_space<semaphore_mem>> -> memref<1x!tpu.dma_semaphore, #tpu.memory_space<semaphore_mem>>
        %dma_start3A_691 = tpu.memref_squeeze %dma_start3A_690 : memref<1x!tpu.dma_semaphore, #tpu.memory_space<semaphore_mem>> -> memref<!tpu.dma_semaphore, #tpu.memory_space<semaphore_mem>>
        tpu.enqueue_indirect_dma source(%dma_start3A_689 : memref<100000x128xf32, #tpu.memory_space<hbm>>) target(%dma_start3A_683 : memref<50x128xf32, #tpu.memory_space<vmem>>) offsets(%dma_start3A_686 : memref<50xi32, #tpu.memory_space<vmem>>) semaphore(%dma_start3A_691 : memref<!tpu.dma_semaphore, #tpu.memory_space<semaphore_mem>>)
      } else {
      }
      %add3A_347 = arith.constant 1 : i32
      %add3A_348 = arith.addi %add3A_305, %add3A_347 : i32
      %dma_wait3A_349 = arith.constant 1 : i32
      %dma_wait3A_350 = arith.constant 1 : i32
      %dma_wait3A_351 = arith.constant 0 : i32
      %dma_wait3A_352 = arith.constant 0 : i32
      %dma_wait3A_353 = tpu.memref_slice %arg6[%dma_wait3A_349, %dma_wait3A_351, %dma_wait3A_352] : memref<8x50x128xf32, #tpu.memory_space<vmem>> -> memref<1x50x128xf32, #tpu.memory_space<vmem>>
      %dma_wait3A_354 = tpu.memref_squeeze %dma_wait3A_353 : memref<1x50x128xf32, #tpu.memory_space<vmem>> -> memref<50x128xf32, #tpu.memory_space<vmem>>
      %dma_wait3A_355 = arith.constant 0 : i32
      %dma_wait3A_356 = tpu.memref_slice %arg5[%add3A_348, %dma_wait3A_355] : memref<128x128xi32, #tpu.memory_space<vmem>> -> memref<1x50xi32, #tpu.memory_space<vmem>>
      %dma_wait3A_357 = tpu.memref_squeeze %dma_wait3A_356 : memref<1x50xi32, #tpu.memory_space<vmem>> -> memref<50xi32, #tpu.memory_space<vmem>>
      %dma_wait3A_358 = arith.constant 0 : i32
      %dma_wait3A_359 = arith.constant 0 : i32
      %dma_wait3A_360 = tpu.memref_slice %arg3[%dma_wait3A_358, %dma_wait3A_359] : memref<100000x128xf32, #tpu.memory_space<hbm>> -> memref<100000x128xf32, #tpu.memory_space<hbm>>
      %dma_wait3A_361 = tpu.memref_slice %arg7[%dma_wait3A_350] : memref<8x!tpu.dma_semaphore, #tpu.memory_space<semaphore_mem>> -> memref<1x!tpu.dma_semaphore, #tpu.memory_space<semaphore_mem>>
      %dma_wait3A_362 = tpu.memref_squeeze %dma_wait3A_361 : memref<1x!tpu.dma_semaphore, #tpu.memory_space<semaphore_mem>> -> memref<!tpu.dma_semaphore, #tpu.memory_space<semaphore_mem>>
      tpu.wait_indirect_dma semaphore(%dma_wait3A_362 : memref<!tpu.dma_semaphore, #tpu.memory_space<semaphore_mem>>) src(%dma_wait3A_360 : memref<100000x128xf32, #tpu.memory_space<hbm>>) dst(%dma_wait3A_354 : memref<50x128xf32, #tpu.memory_space<vmem>>)
      %add3A_363 = arith.addi %mul3A_2, %add3A_348 : i32
      %dma_start3A_364 = arith.constant 1 : i32
      %dma_start3A_365 = arith.constant 1 : i32
      %dma_start3A_366 = arith.constant 0 : i32
      %dma_start3A_367 = arith.constant 0 : i32
      %dma_start3A_368 = tpu.memref_slice %arg6[%dma_start3A_364, %dma_start3A_366, %dma_start3A_367] : memref<8x50x128xf32, #tpu.memory_space<vmem>> -> memref<1x50x128xf32, #tpu.memory_space<vmem>>
      %dma_start3A_369 = tpu.memref_squeeze %dma_start3A_368 : memref<1x50x128xf32, #tpu.memory_space<vmem>> -> memref<50x128xf32, #tpu.memory_space<vmem>>
      %dma_start3A_370 = arith.constant 0 : i32
      %dma_start3A_371 = arith.constant 0 : i32
      %dma_start3A_372 = tpu.memref_slice %arg4[%add3A_363, %dma_start3A_370, %dma_start3A_371] : memref<4096x50x128xf32, #tpu.memory_space<hbm>> -> memref<1x50x128xf32, #tpu.memory_space<hbm>>
      %dma_start3A_373 = tpu.memref_squeeze %dma_start3A_372 : memref<1x50x128xf32, #tpu.memory_space<hbm>> -> memref<50x128xf32, #tpu.memory_space<hbm>>
      %dma_start3A_374 = tpu.memref_slice %arg8[%dma_start3A_365] : memref<8x!tpu.dma_semaphore, #tpu.memory_space<semaphore_mem>> -> memref<1x!tpu.dma_semaphore, #tpu.memory_space<semaphore_mem>>
      %dma_start3A_375 = tpu.memref_squeeze %dma_start3A_374 : memref<1x!tpu.dma_semaphore, #tpu.memory_space<semaphore_mem>> -> memref<!tpu.dma_semaphore, #tpu.memory_space<semaphore_mem>>
      %dma_start3A_376 = arith.constant 0 : i32
      %dma_start3A_377 = arith.constant 0 : i32
      %dma_start3A_378 = tpu.memref_slice %arg4[%add3A_363, %dma_start3A_376, %dma_start3A_377] : memref<4096x50x128xf32, #tpu.memory_space<hbm>> -> memref<1x50x128xf32, #tpu.memory_space<hbm>>
      %dma_start3A_379 = tpu.memref_squeeze %dma_start3A_378 : memref<1x50x128xf32, #tpu.memory_space<hbm>> -> memref<50x128xf32, #tpu.memory_space<hbm>>
      %dma_start3A_380 = arith.constant 0 : i32
      %dma_start3A_381 = arith.constant 0 : i32
      %dma_start3A_382 = tpu.memref_slice %arg6[%dma_start3A_364, %dma_start3A_380, %dma_start3A_381] : memref<8x50x128xf32, #tpu.memory_space<vmem>> -> memref<1x50x128xf32, #tpu.memory_space<vmem>>
      %dma_start3A_383 = tpu.memref_squeeze %dma_start3A_382 : memref<1x50x128xf32, #tpu.memory_space<vmem>> -> memref<50x128xf32, #tpu.memory_space<vmem>>
      tpu.enqueue_dma source(%dma_start3A_383 : memref<50x128xf32, #tpu.memory_space<vmem>>) target(%dma_start3A_379 : memref<50x128xf32, #tpu.memory_space<hbm>>) target_semaphore(%dma_start3A_375 : memref<!tpu.dma_semaphore, #tpu.memory_space<semaphore_mem>>)
      %add3A_384 = arith.constant 8 : i32
      %add3A_385 = arith.addi %add3A_348, %add3A_384 : i32
      %lt3A_386 = arith.constant 128 : i32
      %lt3A_387 = arith.cmpi slt, %add3A_385, %lt3A_386 : i32
      %convert_element_type3A_388 = arith.extui %lt3A_387 : i1 to i32
      %cond3A_389 = arith.constant 0 : i32
      %cond3A_390 = arith.cmpi ne, %convert_element_type3A_388, %cond3A_389 : i32
      scf.if %cond3A_390 {
        %add3A_655 = arith.addi %mul3A_2, %add3A_348 : i32
        %dma_wait3A_656 = arith.constant 1 : i32
        %dma_wait3A_657 = arith.constant 1 : i32
        %dma_wait3A_658 = arith.constant 0 : i32
        %dma_wait3A_659 = arith.constant 0 : i32
        %dma_wait3A_660 = tpu.memref_slice %arg6[%dma_wait3A_656, %dma_wait3A_658, %dma_wait3A_659] : memref<8x50x128xf32, #tpu.memory_space<vmem>> -> memref<1x50x128xf32, #tpu.memory_space<vmem>>
        %dma_wait3A_661 = tpu.memref_squeeze %dma_wait3A_660 : memref<1x50x128xf32, #tpu.memory_space<vmem>> -> memref<50x128xf32, #tpu.memory_space<vmem>>
        %dma_wait3A_662 = arith.constant 0 : i32
        %dma_wait3A_663 = arith.constant 0 : i32
        %dma_wait3A_664 = tpu.memref_slice %arg4[%add3A_655, %dma_wait3A_662, %dma_wait3A_663] : memref<4096x50x128xf32, #tpu.memory_space<hbm>> -> memref<1x50x128xf32, #tpu.memory_space<hbm>>
        %dma_wait3A_665 = tpu.memref_squeeze %dma_wait3A_664 : memref<1x50x128xf32, #tpu.memory_space<hbm>> -> memref<50x128xf32, #tpu.memory_space<hbm>>
        %dma_wait3A_666 = tpu.memref_slice %arg8[%dma_wait3A_657] : memref<8x!tpu.dma_semaphore, #tpu.memory_space<semaphore_mem>> -> memref<1x!tpu.dma_semaphore, #tpu.memory_space<semaphore_mem>>
        %dma_wait3A_667 = tpu.memref_squeeze %dma_wait3A_666 : memref<1x!tpu.dma_semaphore, #tpu.memory_space<semaphore_mem>> -> memref<!tpu.dma_semaphore, #tpu.memory_space<semaphore_mem>>
        %dma_wait3A_668 = arith.constant 0 : i32
        %dma_wait3A_669 = arith.constant 0 : i32
        %dma_wait3A_670 = tpu.memref_slice %arg4[%add3A_655, %dma_wait3A_668, %dma_wait3A_669] : memref<4096x50x128xf32, #tpu.memory_space<hbm>> -> memref<1x50x128xf32, #tpu.memory_space<hbm>>
        %dma_wait3A_671 = tpu.memref_squeeze %dma_wait3A_670 : memref<1x50x128xf32, #tpu.memory_space<hbm>> -> memref<50x128xf32, #tpu.memory_space<hbm>>
        %dma_wait3A_672 = arith.constant 0 : i32
        %dma_wait3A_673 = arith.constant 0 : i32
        %dma_wait3A_674 = tpu.memref_slice %arg6[%dma_wait3A_656, %dma_wait3A_672, %dma_wait3A_673] : memref<8x50x128xf32, #tpu.memory_space<vmem>> -> memref<1x50x128xf32, #tpu.memory_space<vmem>>
        %dma_wait3A_675 = tpu.memref_squeeze %dma_wait3A_674 : memref<1x50x128xf32, #tpu.memory_space<vmem>> -> memref<50x128xf32, #tpu.memory_space<vmem>>
        tpu.wait_dma2 semaphore(%dma_wait3A_667 : memref<!tpu.dma_semaphore, #tpu.memory_space<semaphore_mem>>) src(%dma_wait3A_675 : memref<50x128xf32, #tpu.memory_space<vmem>>) dst(%dma_wait3A_671 : memref<50x128xf32, #tpu.memory_space<hbm>>)
        %add3A_676 = arith.constant 8 : i32
        %add3A_677 = arith.addi %add3A_348, %add3A_676 : i32
        %dma_start3A_678 = arith.constant 1 : i32
        %dma_start3A_679 = arith.constant 1 : i32
        %dma_start3A_680 = arith.constant 0 : i32
        %dma_start3A_681 = arith.constant 0 : i32
        %dma_start3A_682 = tpu.memref_slice %arg6[%dma_start3A_678, %dma_start3A_680, %dma_start3A_681] : memref<8x50x128xf32, #tpu.memory_space<vmem>> -> memref<1x50x128xf32, #tpu.memory_space<vmem>>
        %dma_start3A_683 = tpu.memref_squeeze %dma_start3A_682 : memref<1x50x128xf32, #tpu.memory_space<vmem>> -> memref<50x128xf32, #tpu.memory_space<vmem>>
        %dma_start3A_684 = arith.constant 0 : i32
        %dma_start3A_685 = tpu.memref_slice %arg5[%add3A_677, %dma_start3A_684] : memref<128x128xi32, #tpu.memory_space<vmem>> -> memref<1x50xi32, #tpu.memory_space<vmem>>
        %dma_start3A_686 = tpu.memref_squeeze %dma_start3A_685 : memref<1x50xi32, #tpu.memory_space<vmem>> -> memref<50xi32, #tpu.memory_space<vmem>>
        %dma_start3A_687 = arith.constant 0 : i32
        %dma_start3A_688 = arith.constant 0 : i32
        %dma_start3A_689 = tpu.memref_slice %arg3[%dma_start3A_687, %dma_start3A_688] : memref<100000x128xf32, #tpu.memory_space<hbm>> -> memref<100000x128xf32, #tpu.memory_space<hbm>>
        %dma_start3A_690 = tpu.memref_slice %arg7[%dma_start3A_679] : memref<8x!tpu.dma_semaphore, #tpu.memory_space<semaphore_mem>> -> memref<1x!tpu.dma_semaphore, #tpu.memory_space<semaphore_mem>>
        %dma_start3A_691 = tpu.memref_squeeze %dma_start3A_690 : memref<1x!tpu.dma_semaphore, #tpu.memory_space<semaphore_mem>> -> memref<!tpu.dma_semaphore, #tpu.memory_space<semaphore_mem>>
        tpu.enqueue_indirect_dma source(%dma_start3A_689 : memref<100000x128xf32, #tpu.memory_space<hbm>>) target(%dma_start3A_683 : memref<50x128xf32, #tpu.memory_space<vmem>>) offsets(%dma_start3A_686 : memref<50xi32, #tpu.memory_space<vmem>>) semaphore(%dma_start3A_691 : memref<!tpu.dma_semaphore, #tpu.memory_space<semaphore_mem>>)
      } else {
      }
      %add3A_391 = arith.constant 2 : i32
      %add3A_392 = arith.addi %add3A_305, %add3A_391 : i32
      %dma_wait3A_393 = arith.constant 2 : i32
      %dma_wait3A_394 = arith.constant 2 : i32
      %dma_wait3A_395 = arith.constant 0 : i32
      %dma_wait3A_396 = arith.constant 0 : i32
      %dma_wait3A_397 = tpu.memref_slice %arg6[%dma_wait3A_393, %dma_wait3A_395, %dma_wait3A_396] : memref<8x50x128xf32, #tpu.memory_space<vmem>> -> memref<1x50x128xf32, #tpu.memory_space<vmem>>
      %dma_wait3A_398 = tpu.memref_squeeze %dma_wait3A_397 : memref<1x50x128xf32, #tpu.memory_space<vmem>> -> memref<50x128xf32, #tpu.memory_space<vmem>>
      %dma_wait3A_399 = arith.constant 0 : i32
      %dma_wait3A_400 = tpu.memref_slice %arg5[%add3A_392, %dma_wait3A_399] : memref<128x128xi32, #tpu.memory_space<vmem>> -> memref<1x50xi32, #tpu.memory_space<vmem>>
      %dma_wait3A_401 = tpu.memref_squeeze %dma_wait3A_400 : memref<1x50xi32, #tpu.memory_space<vmem>> -> memref<50xi32, #tpu.memory_space<vmem>>
      %dma_wait3A_402 = arith.constant 0 : i32
      %dma_wait3A_403 = arith.constant 0 : i32
      %dma_wait3A_404 = tpu.memref_slice %arg3[%dma_wait3A_402, %dma_wait3A_403] : memref<100000x128xf32, #tpu.memory_space<hbm>> -> memref<100000x128xf32, #tpu.memory_space<hbm>>
      %dma_wait3A_405 = tpu.memref_slice %arg7[%dma_wait3A_394] : memref<8x!tpu.dma_semaphore, #tpu.memory_space<semaphore_mem>> -> memref<1x!tpu.dma_semaphore, #tpu.memory_space<semaphore_mem>>
      %dma_wait3A_406 = tpu.memref_squeeze %dma_wait3A_405 : memref<1x!tpu.dma_semaphore, #tpu.memory_space<semaphore_mem>> -> memref<!tpu.dma_semaphore, #tpu.memory_space<semaphore_mem>>
      tpu.wait_indirect_dma semaphore(%dma_wait3A_406 : memref<!tpu.dma_semaphore, #tpu.memory_space<semaphore_mem>>) src(%dma_wait3A_404 : memref<100000x128xf32, #tpu.memory_space<hbm>>) dst(%dma_wait3A_398 : memref<50x128xf32, #tpu.memory_space<vmem>>)
      %add3A_407 = arith.addi %mul3A_2, %add3A_392 : i32
      %dma_start3A_408 = arith.constant 2 : i32
      %dma_start3A_409 = arith.constant 2 : i32
      %dma_start3A_410 = arith.constant 0 : i32
      %dma_start3A_411 = arith.constant 0 : i32
      %dma_start3A_412 = tpu.memref_slice %arg6[%dma_start3A_408, %dma_start3A_410, %dma_start3A_411] : memref<8x50x128xf32, #tpu.memory_space<vmem>> -> memref<1x50x128xf32, #tpu.memory_space<vmem>>
      %dma_start3A_413 = tpu.memref_squeeze %dma_start3A_412 : memref<1x50x128xf32, #tpu.memory_space<vmem>> -> memref<50x128xf32, #tpu.memory_space<vmem>>
      %dma_start3A_414 = arith.constant 0 : i32
      %dma_start3A_415 = arith.constant 0 : i32
      %dma_start3A_416 = tpu.memref_slice %arg4[%add3A_407, %dma_start3A_414, %dma_start3A_415] : memref<4096x50x128xf32, #tpu.memory_space<hbm>> -> memref<1x50x128xf32, #tpu.memory_space<hbm>>
      %dma_start3A_417 = tpu.memref_squeeze %dma_start3A_416 : memref<1x50x128xf32, #tpu.memory_space<hbm>> -> memref<50x128xf32, #tpu.memory_space<hbm>>
      %dma_start3A_418 = tpu.memref_slice %arg8[%dma_start3A_409] : memref<8x!tpu.dma_semaphore, #tpu.memory_space<semaphore_mem>> -> memref<1x!tpu.dma_semaphore, #tpu.memory_space<semaphore_mem>>
      %dma_start3A_419 = tpu.memref_squeeze %dma_start3A_418 : memref<1x!tpu.dma_semaphore, #tpu.memory_space<semaphore_mem>> -> memref<!tpu.dma_semaphore, #tpu.memory_space<semaphore_mem>>
      %dma_start3A_420 = arith.constant 0 : i32
      %dma_start3A_421 = arith.constant 0 : i32
      %dma_start3A_422 = tpu.memref_slice %arg4[%add3A_407, %dma_start3A_420, %dma_start3A_421] : memref<4096x50x128xf32, #tpu.memory_space<hbm>> -> memref<1x50x128xf32, #tpu.memory_space<hbm>>
      %dma_start3A_423 = tpu.memref_squeeze %dma_start3A_422 : memref<1x50x128xf32, #tpu.memory_space<hbm>> -> memref<50x128xf32, #tpu.memory_space<hbm>>
      %dma_start3A_424 = arith.constant 0 : i32
      %dma_start3A_425 = arith.constant 0 : i32
      %dma_start3A_426 = tpu.memref_slice %arg6[%dma_start3A_408, %dma_start3A_424, %dma_start3A_425] : memref<8x50x128xf32, #tpu.memory_space<vmem>> -> memref<1x50x128xf32, #tpu.memory_space<vmem>>
      %dma_start3A_427 = tpu.memref_squeeze %dma_start3A_426 : memref<1x50x128xf32, #tpu.memory_space<vmem>> -> memref<50x128xf32, #tpu.memory_space<vmem>>
      tpu.enqueue_dma source(%dma_start3A_427 : memref<50x128xf32, #tpu.memory_space<vmem>>) target(%dma_start3A_423 : memref<50x128xf32, #tpu.memory_space<hbm>>) target_semaphore(%dma_start3A_419 : memref<!tpu.dma_semaphore, #tpu.memory_space<semaphore_mem>>)
      %add3A_428 = arith.constant 8 : i32
      %add3A_429 = arith.addi %add3A_392, %add3A_428 : i32
      %lt3A_430 = arith.constant 128 : i32
      %lt3A_431 = arith.cmpi slt, %add3A_429, %lt3A_430 : i32
      %convert_element_type3A_432 = arith.extui %lt3A_431 : i1 to i32
      %cond3A_433 = arith.constant 0 : i32
      %cond3A_434 = arith.cmpi ne, %convert_element_type3A_432, %cond3A_433 : i32
      scf.if %cond3A_434 {
        %add3A_655 = arith.addi %mul3A_2, %add3A_392 : i32
        %dma_wait3A_656 = arith.constant 2 : i32
        %dma_wait3A_657 = arith.constant 2 : i32
        %dma_wait3A_658 = arith.constant 0 : i32
        %dma_wait3A_659 = arith.constant 0 : i32
        %dma_wait3A_660 = tpu.memref_slice %arg6[%dma_wait3A_656, %dma_wait3A_658, %dma_wait3A_659] : memref<8x50x128xf32, #tpu.memory_space<vmem>> -> memref<1x50x128xf32, #tpu.memory_space<vmem>>
        %dma_wait3A_661 = tpu.memref_squeeze %dma_wait3A_660 : memref<1x50x128xf32, #tpu.memory_space<vmem>> -> memref<50x128xf32, #tpu.memory_space<vmem>>
        %dma_wait3A_662 = arith.constant 0 : i32
        %dma_wait3A_663 = arith.constant 0 : i32
        %dma_wait3A_664 = tpu.memref_slice %arg4[%add3A_655, %dma_wait3A_662, %dma_wait3A_663] : memref<4096x50x128xf32, #tpu.memory_space<hbm>> -> memref<1x50x128xf32, #tpu.memory_space<hbm>>
        %dma_wait3A_665 = tpu.memref_squeeze %dma_wait3A_664 : memref<1x50x128xf32, #tpu.memory_space<hbm>> -> memref<50x128xf32, #tpu.memory_space<hbm>>
        %dma_wait3A_666 = tpu.memref_slice %arg8[%dma_wait3A_657] : memref<8x!tpu.dma_semaphore, #tpu.memory_space<semaphore_mem>> -> memref<1x!tpu.dma_semaphore, #tpu.memory_space<semaphore_mem>>
        %dma_wait3A_667 = tpu.memref_squeeze %dma_wait3A_666 : memref<1x!tpu.dma_semaphore, #tpu.memory_space<semaphore_mem>> -> memref<!tpu.dma_semaphore, #tpu.memory_space<semaphore_mem>>
        %dma_wait3A_668 = arith.constant 0 : i32
        %dma_wait3A_669 = arith.constant 0 : i32
        %dma_wait3A_670 = tpu.memref_slice %arg4[%add3A_655, %dma_wait3A_668, %dma_wait3A_669] : memref<4096x50x128xf32, #tpu.memory_space<hbm>> -> memref<1x50x128xf32, #tpu.memory_space<hbm>>
        %dma_wait3A_671 = tpu.memref_squeeze %dma_wait3A_670 : memref<1x50x128xf32, #tpu.memory_space<hbm>> -> memref<50x128xf32, #tpu.memory_space<hbm>>
        %dma_wait3A_672 = arith.constant 0 : i32
        %dma_wait3A_673 = arith.constant 0 : i32
        %dma_wait3A_674 = tpu.memref_slice %arg6[%dma_wait3A_656, %dma_wait3A_672, %dma_wait3A_673] : memref<8x50x128xf32, #tpu.memory_space<vmem>> -> memref<1x50x128xf32, #tpu.memory_space<vmem>>
        %dma_wait3A_675 = tpu.memref_squeeze %dma_wait3A_674 : memref<1x50x128xf32, #tpu.memory_space<vmem>> -> memref<50x128xf32, #tpu.memory_space<vmem>>
        tpu.wait_dma2 semaphore(%dma_wait3A_667 : memref<!tpu.dma_semaphore, #tpu.memory_space<semaphore_mem>>) src(%dma_wait3A_675 : memref<50x128xf32, #tpu.memory_space<vmem>>) dst(%dma_wait3A_671 : memref<50x128xf32, #tpu.memory_space<hbm>>)
        %add3A_676 = arith.constant 8 : i32
        %add3A_677 = arith.addi %add3A_392, %add3A_676 : i32
        %dma_start3A_678 = arith.constant 2 : i32
        %dma_start3A_679 = arith.constant 2 : i32
        %dma_start3A_680 = arith.constant 0 : i32
        %dma_start3A_681 = arith.constant 0 : i32
        %dma_start3A_682 = tpu.memref_slice %arg6[%dma_start3A_678, %dma_start3A_680, %dma_start3A_681] : memref<8x50x128xf32, #tpu.memory_space<vmem>> -> memref<1x50x128xf32, #tpu.memory_space<vmem>>
        %dma_start3A_683 = tpu.memref_squeeze %dma_start3A_682 : memref<1x50x128xf32, #tpu.memory_space<vmem>> -> memref<50x128xf32, #tpu.memory_space<vmem>>
        %dma_start3A_684 = arith.constant 0 : i32
        %dma_start3A_685 = tpu.memref_slice %arg5[%add3A_677, %dma_start3A_684] : memref<128x128xi32, #tpu.memory_space<vmem>> -> memref<1x50xi32, #tpu.memory_space<vmem>>
        %dma_start3A_686 = tpu.memref_squeeze %dma_start3A_685 : memref<1x50xi32, #tpu.memory_space<vmem>> -> memref<50xi32, #tpu.memory_space<vmem>>
        %dma_start3A_687 = arith.constant 0 : i32
        %dma_start3A_688 = arith.constant 0 : i32
        %dma_start3A_689 = tpu.memref_slice %arg3[%dma_start3A_687, %dma_start3A_688] : memref<100000x128xf32, #tpu.memory_space<hbm>> -> memref<100000x128xf32, #tpu.memory_space<hbm>>
        %dma_start3A_690 = tpu.memref_slice %arg7[%dma_start3A_679] : memref<8x!tpu.dma_semaphore, #tpu.memory_space<semaphore_mem>> -> memref<1x!tpu.dma_semaphore, #tpu.memory_space<semaphore_mem>>
        %dma_start3A_691 = tpu.memref_squeeze %dma_start3A_690 : memref<1x!tpu.dma_semaphore, #tpu.memory_space<semaphore_mem>> -> memref<!tpu.dma_semaphore, #tpu.memory_space<semaphore_mem>>
        tpu.enqueue_indirect_dma source(%dma_start3A_689 : memref<100000x128xf32, #tpu.memory_space<hbm>>) target(%dma_start3A_683 : memref<50x128xf32, #tpu.memory_space<vmem>>) offsets(%dma_start3A_686 : memref<50xi32, #tpu.memory_space<vmem>>) semaphore(%dma_start3A_691 : memref<!tpu.dma_semaphore, #tpu.memory_space<semaphore_mem>>)
      } else {
      }
      %add3A_435 = arith.constant 3 : i32
      %add3A_436 = arith.addi %add3A_305, %add3A_435 : i32
      %dma_wait3A_437 = arith.constant 3 : i32
      %dma_wait3A_438 = arith.constant 3 : i32
      %dma_wait3A_439 = arith.constant 0 : i32
      %dma_wait3A_440 = arith.constant 0 : i32
      %dma_wait3A_441 = tpu.memref_slice %arg6[%dma_wait3A_437, %dma_wait3A_439, %dma_wait3A_440] : memref<8x50x128xf32, #tpu.memory_space<vmem>> -> memref<1x50x128xf32, #tpu.memory_space<vmem>>
      %dma_wait3A_442 = tpu.memref_squeeze %dma_wait3A_441 : memref<1x50x128xf32, #tpu.memory_space<vmem>> -> memref<50x128xf32, #tpu.memory_space<vmem>>
      %dma_wait3A_443 = arith.constant 0 : i32
      %dma_wait3A_444 = tpu.memref_slice %arg5[%add3A_436, %dma_wait3A_443] : memref<128x128xi32, #tpu.memory_space<vmem>> -> memref<1x50xi32, #tpu.memory_space<vmem>>
      %dma_wait3A_445 = tpu.memref_squeeze %dma_wait3A_444 : memref<1x50xi32, #tpu.memory_space<vmem>> -> memref<50xi32, #tpu.memory_space<vmem>>
      %dma_wait3A_446 = arith.constant 0 : i32
      %dma_wait3A_447 = arith.constant 0 : i32
      %dma_wait3A_448 = tpu.memref_slice %arg3[%dma_wait3A_446, %dma_wait3A_447] : memref<100000x128xf32, #tpu.memory_space<hbm>> -> memref<100000x128xf32, #tpu.memory_space<hbm>>
      %dma_wait3A_449 = tpu.memref_slice %arg7[%dma_wait3A_438] : memref<8x!tpu.dma_semaphore, #tpu.memory_space<semaphore_mem>> -> memref<1x!tpu.dma_semaphore, #tpu.memory_space<semaphore_mem>>
      %dma_wait3A_450 = tpu.memref_squeeze %dma_wait3A_449 : memref<1x!tpu.dma_semaphore, #tpu.memory_space<semaphore_mem>> -> memref<!tpu.dma_semaphore, #tpu.memory_space<semaphore_mem>>
      tpu.wait_indirect_dma semaphore(%dma_wait3A_450 : memref<!tpu.dma_semaphore, #tpu.memory_space<semaphore_mem>>) src(%dma_wait3A_448 : memref<100000x128xf32, #tpu.memory_space<hbm>>) dst(%dma_wait3A_442 : memref<50x128xf32, #tpu.memory_space<vmem>>)
      %add3A_451 = arith.addi %mul3A_2, %add3A_436 : i32
      %dma_start3A_452 = arith.constant 3 : i32
      %dma_start3A_453 = arith.constant 3 : i32
      %dma_start3A_454 = arith.constant 0 : i32
      %dma_start3A_455 = arith.constant 0 : i32
      %dma_start3A_456 = tpu.memref_slice %arg6[%dma_start3A_452, %dma_start3A_454, %dma_start3A_455] : memref<8x50x128xf32, #tpu.memory_space<vmem>> -> memref<1x50x128xf32, #tpu.memory_space<vmem>>
      %dma_start3A_457 = tpu.memref_squeeze %dma_start3A_456 : memref<1x50x128xf32, #tpu.memory_space<vmem>> -> memref<50x128xf32, #tpu.memory_space<vmem>>
      %dma_start3A_458 = arith.constant 0 : i32
      %dma_start3A_459 = arith.constant 0 : i32
      %dma_start3A_460 = tpu.memref_slice %arg4[%add3A_451, %dma_start3A_458, %dma_start3A_459] : memref<4096x50x128xf32, #tpu.memory_space<hbm>> -> memref<1x50x128xf32, #tpu.memory_space<hbm>>
      %dma_start3A_461 = tpu.memref_squeeze %dma_start3A_460 : memref<1x50x128xf32, #tpu.memory_space<hbm>> -> memref<50x128xf32, #tpu.memory_space<hbm>>
      %dma_start3A_462 = tpu.memref_slice %arg8[%dma_start3A_453] : memref<8x!tpu.dma_semaphore, #tpu.memory_space<semaphore_mem>> -> memref<1x!tpu.dma_semaphore, #tpu.memory_space<semaphore_mem>>
      %dma_start3A_463 = tpu.memref_squeeze %dma_start3A_462 : memref<1x!tpu.dma_semaphore, #tpu.memory_space<semaphore_mem>> -> memref<!tpu.dma_semaphore, #tpu.memory_space<semaphore_mem>>
      %dma_start3A_464 = arith.constant 0 : i32
      %dma_start3A_465 = arith.constant 0 : i32
      %dma_start3A_466 = tpu.memref_slice %arg4[%add3A_451, %dma_start3A_464, %dma_start3A_465] : memref<4096x50x128xf32, #tpu.memory_space<hbm>> -> memref<1x50x128xf32, #tpu.memory_space<hbm>>
      %dma_start3A_467 = tpu.memref_squeeze %dma_start3A_466 : memref<1x50x128xf32, #tpu.memory_space<hbm>> -> memref<50x128xf32, #tpu.memory_space<hbm>>
      %dma_start3A_468 = arith.constant 0 : i32
      %dma_start3A_469 = arith.constant 0 : i32
      %dma_start3A_470 = tpu.memref_slice %arg6[%dma_start3A_452, %dma_start3A_468, %dma_start3A_469] : memref<8x50x128xf32, #tpu.memory_space<vmem>> -> memref<1x50x128xf32, #tpu.memory_space<vmem>>
      %dma_start3A_471 = tpu.memref_squeeze %dma_start3A_470 : memref<1x50x128xf32, #tpu.memory_space<vmem>> -> memref<50x128xf32, #tpu.memory_space<vmem>>
      tpu.enqueue_dma source(%dma_start3A_471 : memref<50x128xf32, #tpu.memory_space<vmem>>) target(%dma_start3A_467 : memref<50x128xf32, #tpu.memory_space<hbm>>) target_semaphore(%dma_start3A_463 : memref<!tpu.dma_semaphore, #tpu.memory_space<semaphore_mem>>)
      %add3A_472 = arith.constant 8 : i32
      %add3A_473 = arith.addi %add3A_436, %add3A_472 : i32
      %lt3A_474 = arith.constant 128 : i32
      %lt3A_475 = arith.cmpi slt, %add3A_473, %lt3A_474 : i32
      %convert_element_type3A_476 = arith.extui %lt3A_475 : i1 to i32
      %cond3A_477 = arith.constant 0 : i32
      %cond3A_478 = arith.cmpi ne, %convert_element_type3A_476, %cond3A_477 : i32
      scf.if %cond3A_478 {
        %add3A_655 = arith.addi %mul3A_2, %add3A_436 : i32
        %dma_wait3A_656 = arith.constant 3 : i32
        %dma_wait3A_657 = arith.constant 3 : i32
        %dma_wait3A_658 = arith.constant 0 : i32
        %dma_wait3A_659 = arith.constant 0 : i32
        %dma_wait3A_660 = tpu.memref_slice %arg6[%dma_wait3A_656, %dma_wait3A_658, %dma_wait3A_659] : memref<8x50x128xf32, #tpu.memory_space<vmem>> -> memref<1x50x128xf32, #tpu.memory_space<vmem>>
        %dma_wait3A_661 = tpu.memref_squeeze %dma_wait3A_660 : memref<1x50x128xf32, #tpu.memory_space<vmem>> -> memref<50x128xf32, #tpu.memory_space<vmem>>
        %dma_wait3A_662 = arith.constant 0 : i32
        %dma_wait3A_663 = arith.constant 0 : i32
        %dma_wait3A_664 = tpu.memref_slice %arg4[%add3A_655, %dma_wait3A_662, %dma_wait3A_663] : memref<4096x50x128xf32, #tpu.memory_space<hbm>> -> memref<1x50x128xf32, #tpu.memory_space<hbm>>
        %dma_wait3A_665 = tpu.memref_squeeze %dma_wait3A_664 : memref<1x50x128xf32, #tpu.memory_space<hbm>> -> memref<50x128xf32, #tpu.memory_space<hbm>>
        %dma_wait3A_666 = tpu.memref_slice %arg8[%dma_wait3A_657] : memref<8x!tpu.dma_semaphore, #tpu.memory_space<semaphore_mem>> -> memref<1x!tpu.dma_semaphore, #tpu.memory_space<semaphore_mem>>
        %dma_wait3A_667 = tpu.memref_squeeze %dma_wait3A_666 : memref<1x!tpu.dma_semaphore, #tpu.memory_space<semaphore_mem>> -> memref<!tpu.dma_semaphore, #tpu.memory_space<semaphore_mem>>
        %dma_wait3A_668 = arith.constant 0 : i32
        %dma_wait3A_669 = arith.constant 0 : i32
        %dma_wait3A_670 = tpu.memref_slice %arg4[%add3A_655, %dma_wait3A_668, %dma_wait3A_669] : memref<4096x50x128xf32, #tpu.memory_space<hbm>> -> memref<1x50x128xf32, #tpu.memory_space<hbm>>
        %dma_wait3A_671 = tpu.memref_squeeze %dma_wait3A_670 : memref<1x50x128xf32, #tpu.memory_space<hbm>> -> memref<50x128xf32, #tpu.memory_space<hbm>>
        %dma_wait3A_672 = arith.constant 0 : i32
        %dma_wait3A_673 = arith.constant 0 : i32
        %dma_wait3A_674 = tpu.memref_slice %arg6[%dma_wait3A_656, %dma_wait3A_672, %dma_wait3A_673] : memref<8x50x128xf32, #tpu.memory_space<vmem>> -> memref<1x50x128xf32, #tpu.memory_space<vmem>>
        %dma_wait3A_675 = tpu.memref_squeeze %dma_wait3A_674 : memref<1x50x128xf32, #tpu.memory_space<vmem>> -> memref<50x128xf32, #tpu.memory_space<vmem>>
        tpu.wait_dma2 semaphore(%dma_wait3A_667 : memref<!tpu.dma_semaphore, #tpu.memory_space<semaphore_mem>>) src(%dma_wait3A_675 : memref<50x128xf32, #tpu.memory_space<vmem>>) dst(%dma_wait3A_671 : memref<50x128xf32, #tpu.memory_space<hbm>>)
        %add3A_676 = arith.constant 8 : i32
        %add3A_677 = arith.addi %add3A_436, %add3A_676 : i32
        %dma_start3A_678 = arith.constant 3 : i32
        %dma_start3A_679 = arith.constant 3 : i32
        %dma_start3A_680 = arith.constant 0 : i32
        %dma_start3A_681 = arith.constant 0 : i32
        %dma_start3A_682 = tpu.memref_slice %arg6[%dma_start3A_678, %dma_start3A_680, %dma_start3A_681] : memref<8x50x128xf32, #tpu.memory_space<vmem>> -> memref<1x50x128xf32, #tpu.memory_space<vmem>>
        %dma_start3A_683 = tpu.memref_squeeze %dma_start3A_682 : memref<1x50x128xf32, #tpu.memory_space<vmem>> -> memref<50x128xf32, #tpu.memory_space<vmem>>
        %dma_start3A_684 = arith.constant 0 : i32
        %dma_start3A_685 = tpu.memref_slice %arg5[%add3A_677, %dma_start3A_684] : memref<128x128xi32, #tpu.memory_space<vmem>> -> memref<1x50xi32, #tpu.memory_space<vmem>>
        %dma_start3A_686 = tpu.memref_squeeze %dma_start3A_685 : memref<1x50xi32, #tpu.memory_space<vmem>> -> memref<50xi32, #tpu.memory_space<vmem>>
        %dma_start3A_687 = arith.constant 0 : i32
        %dma_start3A_688 = arith.constant 0 : i32
        %dma_start3A_689 = tpu.memref_slice %arg3[%dma_start3A_687, %dma_start3A_688] : memref<100000x128xf32, #tpu.memory_space<hbm>> -> memref<100000x128xf32, #tpu.memory_space<hbm>>
        %dma_start3A_690 = tpu.memref_slice %arg7[%dma_start3A_679] : memref<8x!tpu.dma_semaphore, #tpu.memory_space<semaphore_mem>> -> memref<1x!tpu.dma_semaphore, #tpu.memory_space<semaphore_mem>>
        %dma_start3A_691 = tpu.memref_squeeze %dma_start3A_690 : memref<1x!tpu.dma_semaphore, #tpu.memory_space<semaphore_mem>> -> memref<!tpu.dma_semaphore, #tpu.memory_space<semaphore_mem>>
        tpu.enqueue_indirect_dma source(%dma_start3A_689 : memref<100000x128xf32, #tpu.memory_space<hbm>>) target(%dma_start3A_683 : memref<50x128xf32, #tpu.memory_space<vmem>>) offsets(%dma_start3A_686 : memref<50xi32, #tpu.memory_space<vmem>>) semaphore(%dma_start3A_691 : memref<!tpu.dma_semaphore, #tpu.memory_space<semaphore_mem>>)
      } else {
      }
      %add3A_479 = arith.constant 4 : i32
      %add3A_480 = arith.addi %add3A_305, %add3A_479 : i32
      %dma_wait3A_481 = arith.constant 4 : i32
      %dma_wait3A_482 = arith.constant 4 : i32
      %dma_wait3A_483 = arith.constant 0 : i32
      %dma_wait3A_484 = arith.constant 0 : i32
      %dma_wait3A_485 = tpu.memref_slice %arg6[%dma_wait3A_481, %dma_wait3A_483, %dma_wait3A_484] : memref<8x50x128xf32, #tpu.memory_space<vmem>> -> memref<1x50x128xf32, #tpu.memory_space<vmem>>
      %dma_wait3A_486 = tpu.memref_squeeze %dma_wait3A_485 : memref<1x50x128xf32, #tpu.memory_space<vmem>> -> memref<50x128xf32, #tpu.memory_space<vmem>>
      %dma_wait3A_487 = arith.constant 0 : i32
      %dma_wait3A_488 = tpu.memref_slice %arg5[%add3A_480, %dma_wait3A_487] : memref<128x128xi32, #tpu.memory_space<vmem>> -> memref<1x50xi32, #tpu.memory_space<vmem>>
      %dma_wait3A_489 = tpu.memref_squeeze %dma_wait3A_488 : memref<1x50xi32, #tpu.memory_space<vmem>> -> memref<50xi32, #tpu.memory_space<vmem>>
      %dma_wait3A_490 = arith.constant 0 : i32
      %dma_wait3A_491 = arith.constant 0 : i32
      %dma_wait3A_492 = tpu.memref_slice %arg3[%dma_wait3A_490, %dma_wait3A_491] : memref<100000x128xf32, #tpu.memory_space<hbm>> -> memref<100000x128xf32, #tpu.memory_space<hbm>>
      %dma_wait3A_493 = tpu.memref_slice %arg7[%dma_wait3A_482] : memref<8x!tpu.dma_semaphore, #tpu.memory_space<semaphore_mem>> -> memref<1x!tpu.dma_semaphore, #tpu.memory_space<semaphore_mem>>
      %dma_wait3A_494 = tpu.memref_squeeze %dma_wait3A_493 : memref<1x!tpu.dma_semaphore, #tpu.memory_space<semaphore_mem>> -> memref<!tpu.dma_semaphore, #tpu.memory_space<semaphore_mem>>
      tpu.wait_indirect_dma semaphore(%dma_wait3A_494 : memref<!tpu.dma_semaphore, #tpu.memory_space<semaphore_mem>>) src(%dma_wait3A_492 : memref<100000x128xf32, #tpu.memory_space<hbm>>) dst(%dma_wait3A_486 : memref<50x128xf32, #tpu.memory_space<vmem>>)
      %add3A_495 = arith.addi %mul3A_2, %add3A_480 : i32
      %dma_start3A_496 = arith.constant 4 : i32
      %dma_start3A_497 = arith.constant 4 : i32
      %dma_start3A_498 = arith.constant 0 : i32
      %dma_start3A_499 = arith.constant 0 : i32
      %dma_start3A_500 = tpu.memref_slice %arg6[%dma_start3A_496, %dma_start3A_498, %dma_start3A_499] : memref<8x50x128xf32, #tpu.memory_space<vmem>> -> memref<1x50x128xf32, #tpu.memory_space<vmem>>
      %dma_start3A_501 = tpu.memref_squeeze %dma_start3A_500 : memref<1x50x128xf32, #tpu.memory_space<vmem>> -> memref<50x128xf32, #tpu.memory_space<vmem>>
      %dma_start3A_502 = arith.constant 0 : i32
      %dma_start3A_503 = arith.constant 0 : i32
      %dma_start3A_504 = tpu.memref_slice %arg4[%add3A_495, %dma_start3A_502, %dma_start3A_503] : memref<4096x50x128xf32, #tpu.memory_space<hbm>> -> memref<1x50x128xf32, #tpu.memory_space<hbm>>
      %dma_start3A_505 = tpu.memref_squeeze %dma_start3A_504 : memref<1x50x128xf32, #tpu.memory_space<hbm>> -> memref<50x128xf32, #tpu.memory_space<hbm>>
      %dma_start3A_506 = tpu.memref_slice %arg8[%dma_start3A_497] : memref<8x!tpu.dma_semaphore, #tpu.memory_space<semaphore_mem>> -> memref<1x!tpu.dma_semaphore, #tpu.memory_space<semaphore_mem>>
      %dma_start3A_507 = tpu.memref_squeeze %dma_start3A_506 : memref<1x!tpu.dma_semaphore, #tpu.memory_space<semaphore_mem>> -> memref<!tpu.dma_semaphore, #tpu.memory_space<semaphore_mem>>
      %dma_start3A_508 = arith.constant 0 : i32
      %dma_start3A_509 = arith.constant 0 : i32
      %dma_start3A_510 = tpu.memref_slice %arg4[%add3A_495, %dma_start3A_508, %dma_start3A_509] : memref<4096x50x128xf32, #tpu.memory_space<hbm>> -> memref<1x50x128xf32, #tpu.memory_space<hbm>>
      %dma_start3A_511 = tpu.memref_squeeze %dma_start3A_510 : memref<1x50x128xf32, #tpu.memory_space<hbm>> -> memref<50x128xf32, #tpu.memory_space<hbm>>
      %dma_start3A_512 = arith.constant 0 : i32
      %dma_start3A_513 = arith.constant 0 : i32
      %dma_start3A_514 = tpu.memref_slice %arg6[%dma_start3A_496, %dma_start3A_512, %dma_start3A_513] : memref<8x50x128xf32, #tpu.memory_space<vmem>> -> memref<1x50x128xf32, #tpu.memory_space<vmem>>
      %dma_start3A_515 = tpu.memref_squeeze %dma_start3A_514 : memref<1x50x128xf32, #tpu.memory_space<vmem>> -> memref<50x128xf32, #tpu.memory_space<vmem>>
      tpu.enqueue_dma source(%dma_start3A_515 : memref<50x128xf32, #tpu.memory_space<vmem>>) target(%dma_start3A_511 : memref<50x128xf32, #tpu.memory_space<hbm>>) target_semaphore(%dma_start3A_507 : memref<!tpu.dma_semaphore, #tpu.memory_space<semaphore_mem>>)
      %add3A_516 = arith.constant 8 : i32
      %add3A_517 = arith.addi %add3A_480, %add3A_516 : i32
      %lt3A_518 = arith.constant 128 : i32
      %lt3A_519 = arith.cmpi slt, %add3A_517, %lt3A_518 : i32
      %convert_element_type3A_520 = arith.extui %lt3A_519 : i1 to i32
      %cond3A_521 = arith.constant 0 : i32
      %cond3A_522 = arith.cmpi ne, %convert_element_type3A_520, %cond3A_521 : i32
      scf.if %cond3A_522 {
        %add3A_655 = arith.addi %mul3A_2, %add3A_480 : i32
        %dma_wait3A_656 = arith.constant 4 : i32
        %dma_wait3A_657 = arith.constant 4 : i32
        %dma_wait3A_658 = arith.constant 0 : i32
        %dma_wait3A_659 = arith.constant 0 : i32
        %dma_wait3A_660 = tpu.memref_slice %arg6[%dma_wait3A_656, %dma_wait3A_658, %dma_wait3A_659] : memref<8x50x128xf32, #tpu.memory_space<vmem>> -> memref<1x50x128xf32, #tpu.memory_space<vmem>>
        %dma_wait3A_661 = tpu.memref_squeeze %dma_wait3A_660 : memref<1x50x128xf32, #tpu.memory_space<vmem>> -> memref<50x128xf32, #tpu.memory_space<vmem>>
        %dma_wait3A_662 = arith.constant 0 : i32
        %dma_wait3A_663 = arith.constant 0 : i32
        %dma_wait3A_664 = tpu.memref_slice %arg4[%add3A_655, %dma_wait3A_662, %dma_wait3A_663] : memref<4096x50x128xf32, #tpu.memory_space<hbm>> -> memref<1x50x128xf32, #tpu.memory_space<hbm>>
        %dma_wait3A_665 = tpu.memref_squeeze %dma_wait3A_664 : memref<1x50x128xf32, #tpu.memory_space<hbm>> -> memref<50x128xf32, #tpu.memory_space<hbm>>
        %dma_wait3A_666 = tpu.memref_slice %arg8[%dma_wait3A_657] : memref<8x!tpu.dma_semaphore, #tpu.memory_space<semaphore_mem>> -> memref<1x!tpu.dma_semaphore, #tpu.memory_space<semaphore_mem>>
        %dma_wait3A_667 = tpu.memref_squeeze %dma_wait3A_666 : memref<1x!tpu.dma_semaphore, #tpu.memory_space<semaphore_mem>> -> memref<!tpu.dma_semaphore, #tpu.memory_space<semaphore_mem>>
        %dma_wait3A_668 = arith.constant 0 : i32
        %dma_wait3A_669 = arith.constant 0 : i32
        %dma_wait3A_670 = tpu.memref_slice %arg4[%add3A_655, %dma_wait3A_668, %dma_wait3A_669] : memref<4096x50x128xf32, #tpu.memory_space<hbm>> -> memref<1x50x128xf32, #tpu.memory_space<hbm>>
        %dma_wait3A_671 = tpu.memref_squeeze %dma_wait3A_670 : memref<1x50x128xf32, #tpu.memory_space<hbm>> -> memref<50x128xf32, #tpu.memory_space<hbm>>
        %dma_wait3A_672 = arith.constant 0 : i32
        %dma_wait3A_673 = arith.constant 0 : i32
        %dma_wait3A_674 = tpu.memref_slice %arg6[%dma_wait3A_656, %dma_wait3A_672, %dma_wait3A_673] : memref<8x50x128xf32, #tpu.memory_space<vmem>> -> memref<1x50x128xf32, #tpu.memory_space<vmem>>
        %dma_wait3A_675 = tpu.memref_squeeze %dma_wait3A_674 : memref<1x50x128xf32, #tpu.memory_space<vmem>> -> memref<50x128xf32, #tpu.memory_space<vmem>>
        tpu.wait_dma2 semaphore(%dma_wait3A_667 : memref<!tpu.dma_semaphore, #tpu.memory_space<semaphore_mem>>) src(%dma_wait3A_675 : memref<50x128xf32, #tpu.memory_space<vmem>>) dst(%dma_wait3A_671 : memref<50x128xf32, #tpu.memory_space<hbm>>)
        %add3A_676 = arith.constant 8 : i32
        %add3A_677 = arith.addi %add3A_480, %add3A_676 : i32
        %dma_start3A_678 = arith.constant 4 : i32
        %dma_start3A_679 = arith.constant 4 : i32
        %dma_start3A_680 = arith.constant 0 : i32
        %dma_start3A_681 = arith.constant 0 : i32
        %dma_start3A_682 = tpu.memref_slice %arg6[%dma_start3A_678, %dma_start3A_680, %dma_start3A_681] : memref<8x50x128xf32, #tpu.memory_space<vmem>> -> memref<1x50x128xf32, #tpu.memory_space<vmem>>
        %dma_start3A_683 = tpu.memref_squeeze %dma_start3A_682 : memref<1x50x128xf32, #tpu.memory_space<vmem>> -> memref<50x128xf32, #tpu.memory_space<vmem>>
        %dma_start3A_684 = arith.constant 0 : i32
        %dma_start3A_685 = tpu.memref_slice %arg5[%add3A_677, %dma_start3A_684] : memref<128x128xi32, #tpu.memory_space<vmem>> -> memref<1x50xi32, #tpu.memory_space<vmem>>
        %dma_start3A_686 = tpu.memref_squeeze %dma_start3A_685 : memref<1x50xi32, #tpu.memory_space<vmem>> -> memref<50xi32, #tpu.memory_space<vmem>>
        %dma_start3A_687 = arith.constant 0 : i32
        %dma_start3A_688 = arith.constant 0 : i32
        %dma_start3A_689 = tpu.memref_slice %arg3[%dma_start3A_687, %dma_start3A_688] : memref<100000x128xf32, #tpu.memory_space<hbm>> -> memref<100000x128xf32, #tpu.memory_space<hbm>>
        %dma_start3A_690 = tpu.memref_slice %arg7[%dma_start3A_679] : memref<8x!tpu.dma_semaphore, #tpu.memory_space<semaphore_mem>> -> memref<1x!tpu.dma_semaphore, #tpu.memory_space<semaphore_mem>>
        %dma_start3A_691 = tpu.memref_squeeze %dma_start3A_690 : memref<1x!tpu.dma_semaphore, #tpu.memory_space<semaphore_mem>> -> memref<!tpu.dma_semaphore, #tpu.memory_space<semaphore_mem>>
        tpu.enqueue_indirect_dma source(%dma_start3A_689 : memref<100000x128xf32, #tpu.memory_space<hbm>>) target(%dma_start3A_683 : memref<50x128xf32, #tpu.memory_space<vmem>>) offsets(%dma_start3A_686 : memref<50xi32, #tpu.memory_space<vmem>>) semaphore(%dma_start3A_691 : memref<!tpu.dma_semaphore, #tpu.memory_space<semaphore_mem>>)
      } else {
      }
      %add3A_523 = arith.constant 5 : i32
      %add3A_524 = arith.addi %add3A_305, %add3A_523 : i32
      %dma_wait3A_525 = arith.constant 5 : i32
      %dma_wait3A_526 = arith.constant 5 : i32
      %dma_wait3A_527 = arith.constant 0 : i32
      %dma_wait3A_528 = arith.constant 0 : i32
      %dma_wait3A_529 = tpu.memref_slice %arg6[%dma_wait3A_525, %dma_wait3A_527, %dma_wait3A_528] : memref<8x50x128xf32, #tpu.memory_space<vmem>> -> memref<1x50x128xf32, #tpu.memory_space<vmem>>
      %dma_wait3A_530 = tpu.memref_squeeze %dma_wait3A_529 : memref<1x50x128xf32, #tpu.memory_space<vmem>> -> memref<50x128xf32, #tpu.memory_space<vmem>>
      %dma_wait3A_531 = arith.constant 0 : i32
      %dma_wait3A_532 = tpu.memref_slice %arg5[%add3A_524, %dma_wait3A_531] : memref<128x128xi32, #tpu.memory_space<vmem>> -> memref<1x50xi32, #tpu.memory_space<vmem>>
      %dma_wait3A_533 = tpu.memref_squeeze %dma_wait3A_532 : memref<1x50xi32, #tpu.memory_space<vmem>> -> memref<50xi32, #tpu.memory_space<vmem>>
      %dma_wait3A_534 = arith.constant 0 : i32
      %dma_wait3A_535 = arith.constant 0 : i32
      %dma_wait3A_536 = tpu.memref_slice %arg3[%dma_wait3A_534, %dma_wait3A_535] : memref<100000x128xf32, #tpu.memory_space<hbm>> -> memref<100000x128xf32, #tpu.memory_space<hbm>>
      %dma_wait3A_537 = tpu.memref_slice %arg7[%dma_wait3A_526] : memref<8x!tpu.dma_semaphore, #tpu.memory_space<semaphore_mem>> -> memref<1x!tpu.dma_semaphore, #tpu.memory_space<semaphore_mem>>
      %dma_wait3A_538 = tpu.memref_squeeze %dma_wait3A_537 : memref<1x!tpu.dma_semaphore, #tpu.memory_space<semaphore_mem>> -> memref<!tpu.dma_semaphore, #tpu.memory_space<semaphore_mem>>
      tpu.wait_indirect_dma semaphore(%dma_wait3A_538 : memref<!tpu.dma_semaphore, #tpu.memory_space<semaphore_mem>>) src(%dma_wait3A_536 : memref<100000x128xf32, #tpu.memory_space<hbm>>) dst(%dma_wait3A_530 : memref<50x128xf32, #tpu.memory_space<vmem>>)
      %add3A_539 = arith.addi %mul3A_2, %add3A_524 : i32
      %dma_start3A_540 = arith.constant 5 : i32
      %dma_start3A_541 = arith.constant 5 : i32
      %dma_start3A_542 = arith.constant 0 : i32
      %dma_start3A_543 = arith.constant 0 : i32
      %dma_start3A_544 = tpu.memref_slice %arg6[%dma_start3A_540, %dma_start3A_542, %dma_start3A_543] : memref<8x50x128xf32, #tpu.memory_space<vmem>> -> memref<1x50x128xf32, #tpu.memory_space<vmem>>
      %dma_start3A_545 = tpu.memref_squeeze %dma_start3A_544 : memref<1x50x128xf32, #tpu.memory_space<vmem>> -> memref<50x128xf32, #tpu.memory_space<vmem>>
      %dma_start3A_546 = arith.constant 0 : i32
      %dma_start3A_547 = arith.constant 0 : i32
      %dma_start3A_548 = tpu.memref_slice %arg4[%add3A_539, %dma_start3A_546, %dma_start3A_547] : memref<4096x50x128xf32, #tpu.memory_space<hbm>> -> memref<1x50x128xf32, #tpu.memory_space<hbm>>
      %dma_start3A_549 = tpu.memref_squeeze %dma_start3A_548 : memref<1x50x128xf32, #tpu.memory_space<hbm>> -> memref<50x128xf32, #tpu.memory_space<hbm>>
      %dma_start3A_550 = tpu.memref_slice %arg8[%dma_start3A_541] : memref<8x!tpu.dma_semaphore, #tpu.memory_space<semaphore_mem>> -> memref<1x!tpu.dma_semaphore, #tpu.memory_space<semaphore_mem>>
      %dma_start3A_551 = tpu.memref_squeeze %dma_start3A_550 : memref<1x!tpu.dma_semaphore, #tpu.memory_space<semaphore_mem>> -> memref<!tpu.dma_semaphore, #tpu.memory_space<semaphore_mem>>
      %dma_start3A_552 = arith.constant 0 : i32
      %dma_start3A_553 = arith.constant 0 : i32
      %dma_start3A_554 = tpu.memref_slice %arg4[%add3A_539, %dma_start3A_552, %dma_start3A_553] : memref<4096x50x128xf32, #tpu.memory_space<hbm>> -> memref<1x50x128xf32, #tpu.memory_space<hbm>>
      %dma_start3A_555 = tpu.memref_squeeze %dma_start3A_554 : memref<1x50x128xf32, #tpu.memory_space<hbm>> -> memref<50x128xf32, #tpu.memory_space<hbm>>
      %dma_start3A_556 = arith.constant 0 : i32
      %dma_start3A_557 = arith.constant 0 : i32
      %dma_start3A_558 = tpu.memref_slice %arg6[%dma_start3A_540, %dma_start3A_556, %dma_start3A_557] : memref<8x50x128xf32, #tpu.memory_space<vmem>> -> memref<1x50x128xf32, #tpu.memory_space<vmem>>
      %dma_start3A_559 = tpu.memref_squeeze %dma_start3A_558 : memref<1x50x128xf32, #tpu.memory_space<vmem>> -> memref<50x128xf32, #tpu.memory_space<vmem>>
      tpu.enqueue_dma source(%dma_start3A_559 : memref<50x128xf32, #tpu.memory_space<vmem>>) target(%dma_start3A_555 : memref<50x128xf32, #tpu.memory_space<hbm>>) target_semaphore(%dma_start3A_551 : memref<!tpu.dma_semaphore, #tpu.memory_space<semaphore_mem>>)
      %add3A_560 = arith.constant 8 : i32
      %add3A_561 = arith.addi %add3A_524, %add3A_560 : i32
      %lt3A_562 = arith.constant 128 : i32
      %lt3A_563 = arith.cmpi slt, %add3A_561, %lt3A_562 : i32
      %convert_element_type3A_564 = arith.extui %lt3A_563 : i1 to i32
      %cond3A_565 = arith.constant 0 : i32
      %cond3A_566 = arith.cmpi ne, %convert_element_type3A_564, %cond3A_565 : i32
      scf.if %cond3A_566 {
        %add3A_655 = arith.addi %mul3A_2, %add3A_524 : i32
        %dma_wait3A_656 = arith.constant 5 : i32
        %dma_wait3A_657 = arith.constant 5 : i32
        %dma_wait3A_658 = arith.constant 0 : i32
        %dma_wait3A_659 = arith.constant 0 : i32
        %dma_wait3A_660 = tpu.memref_slice %arg6[%dma_wait3A_656, %dma_wait3A_658, %dma_wait3A_659] : memref<8x50x128xf32, #tpu.memory_space<vmem>> -> memref<1x50x128xf32, #tpu.memory_space<vmem>>
        %dma_wait3A_661 = tpu.memref_squeeze %dma_wait3A_660 : memref<1x50x128xf32, #tpu.memory_space<vmem>> -> memref<50x128xf32, #tpu.memory_space<vmem>>
        %dma_wait3A_662 = arith.constant 0 : i32
        %dma_wait3A_663 = arith.constant 0 : i32
        %dma_wait3A_664 = tpu.memref_slice %arg4[%add3A_655, %dma_wait3A_662, %dma_wait3A_663] : memref<4096x50x128xf32, #tpu.memory_space<hbm>> -> memref<1x50x128xf32, #tpu.memory_space<hbm>>
        %dma_wait3A_665 = tpu.memref_squeeze %dma_wait3A_664 : memref<1x50x128xf32, #tpu.memory_space<hbm>> -> memref<50x128xf32, #tpu.memory_space<hbm>>
        %dma_wait3A_666 = tpu.memref_slice %arg8[%dma_wait3A_657] : memref<8x!tpu.dma_semaphore, #tpu.memory_space<semaphore_mem>> -> memref<1x!tpu.dma_semaphore, #tpu.memory_space<semaphore_mem>>
        %dma_wait3A_667 = tpu.memref_squeeze %dma_wait3A_666 : memref<1x!tpu.dma_semaphore, #tpu.memory_space<semaphore_mem>> -> memref<!tpu.dma_semaphore, #tpu.memory_space<semaphore_mem>>
        %dma_wait3A_668 = arith.constant 0 : i32
        %dma_wait3A_669 = arith.constant 0 : i32
        %dma_wait3A_670 = tpu.memref_slice %arg4[%add3A_655, %dma_wait3A_668, %dma_wait3A_669] : memref<4096x50x128xf32, #tpu.memory_space<hbm>> -> memref<1x50x128xf32, #tpu.memory_space<hbm>>
        %dma_wait3A_671 = tpu.memref_squeeze %dma_wait3A_670 : memref<1x50x128xf32, #tpu.memory_space<hbm>> -> memref<50x128xf32, #tpu.memory_space<hbm>>
        %dma_wait3A_672 = arith.constant 0 : i32
        %dma_wait3A_673 = arith.constant 0 : i32
        %dma_wait3A_674 = tpu.memref_slice %arg6[%dma_wait3A_656, %dma_wait3A_672, %dma_wait3A_673] : memref<8x50x128xf32, #tpu.memory_space<vmem>> -> memref<1x50x128xf32, #tpu.memory_space<vmem>>
        %dma_wait3A_675 = tpu.memref_squeeze %dma_wait3A_674 : memref<1x50x128xf32, #tpu.memory_space<vmem>> -> memref<50x128xf32, #tpu.memory_space<vmem>>
        tpu.wait_dma2 semaphore(%dma_wait3A_667 : memref<!tpu.dma_semaphore, #tpu.memory_space<semaphore_mem>>) src(%dma_wait3A_675 : memref<50x128xf32, #tpu.memory_space<vmem>>) dst(%dma_wait3A_671 : memref<50x128xf32, #tpu.memory_space<hbm>>)
        %add3A_676 = arith.constant 8 : i32
        %add3A_677 = arith.addi %add3A_524, %add3A_676 : i32
        %dma_start3A_678 = arith.constant 5 : i32
        %dma_start3A_679 = arith.constant 5 : i32
        %dma_start3A_680 = arith.constant 0 : i32
        %dma_start3A_681 = arith.constant 0 : i32
        %dma_start3A_682 = tpu.memref_slice %arg6[%dma_start3A_678, %dma_start3A_680, %dma_start3A_681] : memref<8x50x128xf32, #tpu.memory_space<vmem>> -> memref<1x50x128xf32, #tpu.memory_space<vmem>>
        %dma_start3A_683 = tpu.memref_squeeze %dma_start3A_682 : memref<1x50x128xf32, #tpu.memory_space<vmem>> -> memref<50x128xf32, #tpu.memory_space<vmem>>
        %dma_start3A_684 = arith.constant 0 : i32
        %dma_start3A_685 = tpu.memref_slice %arg5[%add3A_677, %dma_start3A_684] : memref<128x128xi32, #tpu.memory_space<vmem>> -> memref<1x50xi32, #tpu.memory_space<vmem>>
        %dma_start3A_686 = tpu.memref_squeeze %dma_start3A_685 : memref<1x50xi32, #tpu.memory_space<vmem>> -> memref<50xi32, #tpu.memory_space<vmem>>
        %dma_start3A_687 = arith.constant 0 : i32
        %dma_start3A_688 = arith.constant 0 : i32
        %dma_start3A_689 = tpu.memref_slice %arg3[%dma_start3A_687, %dma_start3A_688] : memref<100000x128xf32, #tpu.memory_space<hbm>> -> memref<100000x128xf32, #tpu.memory_space<hbm>>
        %dma_start3A_690 = tpu.memref_slice %arg7[%dma_start3A_679] : memref<8x!tpu.dma_semaphore, #tpu.memory_space<semaphore_mem>> -> memref<1x!tpu.dma_semaphore, #tpu.memory_space<semaphore_mem>>
        %dma_start3A_691 = tpu.memref_squeeze %dma_start3A_690 : memref<1x!tpu.dma_semaphore, #tpu.memory_space<semaphore_mem>> -> memref<!tpu.dma_semaphore, #tpu.memory_space<semaphore_mem>>
        tpu.enqueue_indirect_dma source(%dma_start3A_689 : memref<100000x128xf32, #tpu.memory_space<hbm>>) target(%dma_start3A_683 : memref<50x128xf32, #tpu.memory_space<vmem>>) offsets(%dma_start3A_686 : memref<50xi32, #tpu.memory_space<vmem>>) semaphore(%dma_start3A_691 : memref<!tpu.dma_semaphore, #tpu.memory_space<semaphore_mem>>)
      } else {
      }
      %add3A_567 = arith.constant 6 : i32
      %add3A_568 = arith.addi %add3A_305, %add3A_567 : i32
      %dma_wait3A_569 = arith.constant 6 : i32
      %dma_wait3A_570 = arith.constant 6 : i32
      %dma_wait3A_571 = arith.constant 0 : i32
      %dma_wait3A_572 = arith.constant 0 : i32
      %dma_wait3A_573 = tpu.memref_slice %arg6[%dma_wait3A_569, %dma_wait3A_571, %dma_wait3A_572] : memref<8x50x128xf32, #tpu.memory_space<vmem>> -> memref<1x50x128xf32, #tpu.memory_space<vmem>>
      %dma_wait3A_574 = tpu.memref_squeeze %dma_wait3A_573 : memref<1x50x128xf32, #tpu.memory_space<vmem>> -> memref<50x128xf32, #tpu.memory_space<vmem>>
      %dma_wait3A_575 = arith.constant 0 : i32
      %dma_wait3A_576 = tpu.memref_slice %arg5[%add3A_568, %dma_wait3A_575] : memref<128x128xi32, #tpu.memory_space<vmem>> -> memref<1x50xi32, #tpu.memory_space<vmem>>
      %dma_wait3A_577 = tpu.memref_squeeze %dma_wait3A_576 : memref<1x50xi32, #tpu.memory_space<vmem>> -> memref<50xi32, #tpu.memory_space<vmem>>
      %dma_wait3A_578 = arith.constant 0 : i32
      %dma_wait3A_579 = arith.constant 0 : i32
      %dma_wait3A_580 = tpu.memref_slice %arg3[%dma_wait3A_578, %dma_wait3A_579] : memref<100000x128xf32, #tpu.memory_space<hbm>> -> memref<100000x128xf32, #tpu.memory_space<hbm>>
      %dma_wait3A_581 = tpu.memref_slice %arg7[%dma_wait3A_570] : memref<8x!tpu.dma_semaphore, #tpu.memory_space<semaphore_mem>> -> memref<1x!tpu.dma_semaphore, #tpu.memory_space<semaphore_mem>>
      %dma_wait3A_582 = tpu.memref_squeeze %dma_wait3A_581 : memref<1x!tpu.dma_semaphore, #tpu.memory_space<semaphore_mem>> -> memref<!tpu.dma_semaphore, #tpu.memory_space<semaphore_mem>>
      tpu.wait_indirect_dma semaphore(%dma_wait3A_582 : memref<!tpu.dma_semaphore, #tpu.memory_space<semaphore_mem>>) src(%dma_wait3A_580 : memref<100000x128xf32, #tpu.memory_space<hbm>>) dst(%dma_wait3A_574 : memref<50x128xf32, #tpu.memory_space<vmem>>)
      %add3A_583 = arith.addi %mul3A_2, %add3A_568 : i32
      %dma_start3A_584 = arith.constant 6 : i32
      %dma_start3A_585 = arith.constant 6 : i32
      %dma_start3A_586 = arith.constant 0 : i32
      %dma_start3A_587 = arith.constant 0 : i32
      %dma_start3A_588 = tpu.memref_slice %arg6[%dma_start3A_584, %dma_start3A_586, %dma_start3A_587] : memref<8x50x128xf32, #tpu.memory_space<vmem>> -> memref<1x50x128xf32, #tpu.memory_space<vmem>>
      %dma_start3A_589 = tpu.memref_squeeze %dma_start3A_588 : memref<1x50x128xf32, #tpu.memory_space<vmem>> -> memref<50x128xf32, #tpu.memory_space<vmem>>
      %dma_start3A_590 = arith.constant 0 : i32
      %dma_start3A_591 = arith.constant 0 : i32
      %dma_start3A_592 = tpu.memref_slice %arg4[%add3A_583, %dma_start3A_590, %dma_start3A_591] : memref<4096x50x128xf32, #tpu.memory_space<hbm>> -> memref<1x50x128xf32, #tpu.memory_space<hbm>>
      %dma_start3A_593 = tpu.memref_squeeze %dma_start3A_592 : memref<1x50x128xf32, #tpu.memory_space<hbm>> -> memref<50x128xf32, #tpu.memory_space<hbm>>
      %dma_start3A_594 = tpu.memref_slice %arg8[%dma_start3A_585] : memref<8x!tpu.dma_semaphore, #tpu.memory_space<semaphore_mem>> -> memref<1x!tpu.dma_semaphore, #tpu.memory_space<semaphore_mem>>
      %dma_start3A_595 = tpu.memref_squeeze %dma_start3A_594 : memref<1x!tpu.dma_semaphore, #tpu.memory_space<semaphore_mem>> -> memref<!tpu.dma_semaphore, #tpu.memory_space<semaphore_mem>>
      %dma_start3A_596 = arith.constant 0 : i32
      %dma_start3A_597 = arith.constant 0 : i32
      %dma_start3A_598 = tpu.memref_slice %arg4[%add3A_583, %dma_start3A_596, %dma_start3A_597] : memref<4096x50x128xf32, #tpu.memory_space<hbm>> -> memref<1x50x128xf32, #tpu.memory_space<hbm>>
      %dma_start3A_599 = tpu.memref_squeeze %dma_start3A_598 : memref<1x50x128xf32, #tpu.memory_space<hbm>> -> memref<50x128xf32, #tpu.memory_space<hbm>>
      %dma_start3A_600 = arith.constant 0 : i32
      %dma_start3A_601 = arith.constant 0 : i32
      %dma_start3A_602 = tpu.memref_slice %arg6[%dma_start3A_584, %dma_start3A_600, %dma_start3A_601] : memref<8x50x128xf32, #tpu.memory_space<vmem>> -> memref<1x50x128xf32, #tpu.memory_space<vmem>>
      %dma_start3A_603 = tpu.memref_squeeze %dma_start3A_602 : memref<1x50x128xf32, #tpu.memory_space<vmem>> -> memref<50x128xf32, #tpu.memory_space<vmem>>
      tpu.enqueue_dma source(%dma_start3A_603 : memref<50x128xf32, #tpu.memory_space<vmem>>) target(%dma_start3A_599 : memref<50x128xf32, #tpu.memory_space<hbm>>) target_semaphore(%dma_start3A_595 : memref<!tpu.dma_semaphore, #tpu.memory_space<semaphore_mem>>)
      %add3A_604 = arith.constant 8 : i32
      %add3A_605 = arith.addi %add3A_568, %add3A_604 : i32
      %lt3A_606 = arith.constant 128 : i32
      %lt3A_607 = arith.cmpi slt, %add3A_605, %lt3A_606 : i32
      %convert_element_type3A_608 = arith.extui %lt3A_607 : i1 to i32
      %cond3A_609 = arith.constant 0 : i32
      %cond3A_610 = arith.cmpi ne, %convert_element_type3A_608, %cond3A_609 : i32
      scf.if %cond3A_610 {
        %add3A_655 = arith.addi %mul3A_2, %add3A_568 : i32
        %dma_wait3A_656 = arith.constant 6 : i32
        %dma_wait3A_657 = arith.constant 6 : i32
        %dma_wait3A_658 = arith.constant 0 : i32
        %dma_wait3A_659 = arith.constant 0 : i32
        %dma_wait3A_660 = tpu.memref_slice %arg6[%dma_wait3A_656, %dma_wait3A_658, %dma_wait3A_659] : memref<8x50x128xf32, #tpu.memory_space<vmem>> -> memref<1x50x128xf32, #tpu.memory_space<vmem>>
        %dma_wait3A_661 = tpu.memref_squeeze %dma_wait3A_660 : memref<1x50x128xf32, #tpu.memory_space<vmem>> -> memref<50x128xf32, #tpu.memory_space<vmem>>
        %dma_wait3A_662 = arith.constant 0 : i32
        %dma_wait3A_663 = arith.constant 0 : i32
        %dma_wait3A_664 = tpu.memref_slice %arg4[%add3A_655, %dma_wait3A_662, %dma_wait3A_663] : memref<4096x50x128xf32, #tpu.memory_space<hbm>> -> memref<1x50x128xf32, #tpu.memory_space<hbm>>
        %dma_wait3A_665 = tpu.memref_squeeze %dma_wait3A_664 : memref<1x50x128xf32, #tpu.memory_space<hbm>> -> memref<50x128xf32, #tpu.memory_space<hbm>>
        %dma_wait3A_666 = tpu.memref_slice %arg8[%dma_wait3A_657] : memref<8x!tpu.dma_semaphore, #tpu.memory_space<semaphore_mem>> -> memref<1x!tpu.dma_semaphore, #tpu.memory_space<semaphore_mem>>
        %dma_wait3A_667 = tpu.memref_squeeze %dma_wait3A_666 : memref<1x!tpu.dma_semaphore, #tpu.memory_space<semaphore_mem>> -> memref<!tpu.dma_semaphore, #tpu.memory_space<semaphore_mem>>
        %dma_wait3A_668 = arith.constant 0 : i32
        %dma_wait3A_669 = arith.constant 0 : i32
        %dma_wait3A_670 = tpu.memref_slice %arg4[%add3A_655, %dma_wait3A_668, %dma_wait3A_669] : memref<4096x50x128xf32, #tpu.memory_space<hbm>> -> memref<1x50x128xf32, #tpu.memory_space<hbm>>
        %dma_wait3A_671 = tpu.memref_squeeze %dma_wait3A_670 : memref<1x50x128xf32, #tpu.memory_space<hbm>> -> memref<50x128xf32, #tpu.memory_space<hbm>>
        %dma_wait3A_672 = arith.constant 0 : i32
        %dma_wait3A_673 = arith.constant 0 : i32
        %dma_wait3A_674 = tpu.memref_slice %arg6[%dma_wait3A_656, %dma_wait3A_672, %dma_wait3A_673] : memref<8x50x128xf32, #tpu.memory_space<vmem>> -> memref<1x50x128xf32, #tpu.memory_space<vmem>>
        %dma_wait3A_675 = tpu.memref_squeeze %dma_wait3A_674 : memref<1x50x128xf32, #tpu.memory_space<vmem>> -> memref<50x128xf32, #tpu.memory_space<vmem>>
        tpu.wait_dma2 semaphore(%dma_wait3A_667 : memref<!tpu.dma_semaphore, #tpu.memory_space<semaphore_mem>>) src(%dma_wait3A_675 : memref<50x128xf32, #tpu.memory_space<vmem>>) dst(%dma_wait3A_671 : memref<50x128xf32, #tpu.memory_space<hbm>>)
        %add3A_676 = arith.constant 8 : i32
        %add3A_677 = arith.addi %add3A_568, %add3A_676 : i32
        %dma_start3A_678 = arith.constant 6 : i32
        %dma_start3A_679 = arith.constant 6 : i32
        %dma_start3A_680 = arith.constant 0 : i32
        %dma_start3A_681 = arith.constant 0 : i32
        %dma_start3A_682 = tpu.memref_slice %arg6[%dma_start3A_678, %dma_start3A_680, %dma_start3A_681] : memref<8x50x128xf32, #tpu.memory_space<vmem>> -> memref<1x50x128xf32, #tpu.memory_space<vmem>>
        %dma_start3A_683 = tpu.memref_squeeze %dma_start3A_682 : memref<1x50x128xf32, #tpu.memory_space<vmem>> -> memref<50x128xf32, #tpu.memory_space<vmem>>
        %dma_start3A_684 = arith.constant 0 : i32
        %dma_start3A_685 = tpu.memref_slice %arg5[%add3A_677, %dma_start3A_684] : memref<128x128xi32, #tpu.memory_space<vmem>> -> memref<1x50xi32, #tpu.memory_space<vmem>>
        %dma_start3A_686 = tpu.memref_squeeze %dma_start3A_685 : memref<1x50xi32, #tpu.memory_space<vmem>> -> memref<50xi32, #tpu.memory_space<vmem>>
        %dma_start3A_687 = arith.constant 0 : i32
        %dma_start3A_688 = arith.constant 0 : i32
        %dma_start3A_689 = tpu.memref_slice %arg3[%dma_start3A_687, %dma_start3A_688] : memref<100000x128xf32, #tpu.memory_space<hbm>> -> memref<100000x128xf32, #tpu.memory_space<hbm>>
        %dma_start3A_690 = tpu.memref_slice %arg7[%dma_start3A_679] : memref<8x!tpu.dma_semaphore, #tpu.memory_space<semaphore_mem>> -> memref<1x!tpu.dma_semaphore, #tpu.memory_space<semaphore_mem>>
        %dma_start3A_691 = tpu.memref_squeeze %dma_start3A_690 : memref<1x!tpu.dma_semaphore, #tpu.memory_space<semaphore_mem>> -> memref<!tpu.dma_semaphore, #tpu.memory_space<semaphore_mem>>
        tpu.enqueue_indirect_dma source(%dma_start3A_689 : memref<100000x128xf32, #tpu.memory_space<hbm>>) target(%dma_start3A_683 : memref<50x128xf32, #tpu.memory_space<vmem>>) offsets(%dma_start3A_686 : memref<50xi32, #tpu.memory_space<vmem>>) semaphore(%dma_start3A_691 : memref<!tpu.dma_semaphore, #tpu.memory_space<semaphore_mem>>)
      } else {
      }
      %add3A_611 = arith.constant 7 : i32
      %add3A_612 = arith.addi %add3A_305, %add3A_611 : i32
      %dma_wait3A_613 = arith.constant 7 : i32
      %dma_wait3A_614 = arith.constant 7 : i32
      %dma_wait3A_615 = arith.constant 0 : i32
      %dma_wait3A_616 = arith.constant 0 : i32
      %dma_wait3A_617 = tpu.memref_slice %arg6[%dma_wait3A_613, %dma_wait3A_615, %dma_wait3A_616] : memref<8x50x128xf32, #tpu.memory_space<vmem>> -> memref<1x50x128xf32, #tpu.memory_space<vmem>>
      %dma_wait3A_618 = tpu.memref_squeeze %dma_wait3A_617 : memref<1x50x128xf32, #tpu.memory_space<vmem>> -> memref<50x128xf32, #tpu.memory_space<vmem>>
      %dma_wait3A_619 = arith.constant 0 : i32
      %dma_wait3A_620 = tpu.memref_slice %arg5[%add3A_612, %dma_wait3A_619] : memref<128x128xi32, #tpu.memory_space<vmem>> -> memref<1x50xi32, #tpu.memory_space<vmem>>
      %dma_wait3A_621 = tpu.memref_squeeze %dma_wait3A_620 : memref<1x50xi32, #tpu.memory_space<vmem>> -> memref<50xi32, #tpu.memory_space<vmem>>
      %dma_wait3A_622 = arith.constant 0 : i32
      %dma_wait3A_623 = arith.constant 0 : i32
      %dma_wait3A_624 = tpu.memref_slice %arg3[%dma_wait3A_622, %dma_wait3A_623] : memref<100000x128xf32, #tpu.memory_space<hbm>> -> memref<100000x128xf32, #tpu.memory_space<hbm>>
      %dma_wait3A_625 = tpu.memref_slice %arg7[%dma_wait3A_614] : memref<8x!tpu.dma_semaphore, #tpu.memory_space<semaphore_mem>> -> memref<1x!tpu.dma_semaphore, #tpu.memory_space<semaphore_mem>>
      %dma_wait3A_626 = tpu.memref_squeeze %dma_wait3A_625 : memref<1x!tpu.dma_semaphore, #tpu.memory_space<semaphore_mem>> -> memref<!tpu.dma_semaphore, #tpu.memory_space<semaphore_mem>>
      tpu.wait_indirect_dma semaphore(%dma_wait3A_626 : memref<!tpu.dma_semaphore, #tpu.memory_space<semaphore_mem>>) src(%dma_wait3A_624 : memref<100000x128xf32, #tpu.memory_space<hbm>>) dst(%dma_wait3A_618 : memref<50x128xf32, #tpu.memory_space<vmem>>)
      %add3A_627 = arith.addi %mul3A_2, %add3A_612 : i32
      %dma_start3A_628 = arith.constant 7 : i32
      %dma_start3A_629 = arith.constant 7 : i32
      %dma_start3A_630 = arith.constant 0 : i32
      %dma_start3A_631 = arith.constant 0 : i32
      %dma_start3A_632 = tpu.memref_slice %arg6[%dma_start3A_628, %dma_start3A_630, %dma_start3A_631] : memref<8x50x128xf32, #tpu.memory_space<vmem>> -> memref<1x50x128xf32, #tpu.memory_space<vmem>>
      %dma_start3A_633 = tpu.memref_squeeze %dma_start3A_632 : memref<1x50x128xf32, #tpu.memory_space<vmem>> -> memref<50x128xf32, #tpu.memory_space<vmem>>
      %dma_start3A_634 = arith.constant 0 : i32
      %dma_start3A_635 = arith.constant 0 : i32
      %dma_start3A_636 = tpu.memref_slice %arg4[%add3A_627, %dma_start3A_634, %dma_start3A_635] : memref<4096x50x128xf32, #tpu.memory_space<hbm>> -> memref<1x50x128xf32, #tpu.memory_space<hbm>>
      %dma_start3A_637 = tpu.memref_squeeze %dma_start3A_636 : memref<1x50x128xf32, #tpu.memory_space<hbm>> -> memref<50x128xf32, #tpu.memory_space<hbm>>
      %dma_start3A_638 = tpu.memref_slice %arg8[%dma_start3A_629] : memref<8x!tpu.dma_semaphore, #tpu.memory_space<semaphore_mem>> -> memref<1x!tpu.dma_semaphore, #tpu.memory_space<semaphore_mem>>
      %dma_start3A_639 = tpu.memref_squeeze %dma_start3A_638 : memref<1x!tpu.dma_semaphore, #tpu.memory_space<semaphore_mem>> -> memref<!tpu.dma_semaphore, #tpu.memory_space<semaphore_mem>>
      %dma_start3A_640 = arith.constant 0 : i32
      %dma_start3A_641 = arith.constant 0 : i32
      %dma_start3A_642 = tpu.memref_slice %arg4[%add3A_627, %dma_start3A_640, %dma_start3A_641] : memref<4096x50x128xf32, #tpu.memory_space<hbm>> -> memref<1x50x128xf32, #tpu.memory_space<hbm>>
      %dma_start3A_643 = tpu.memref_squeeze %dma_start3A_642 : memref<1x50x128xf32, #tpu.memory_space<hbm>> -> memref<50x128xf32, #tpu.memory_space<hbm>>
      %dma_start3A_644 = arith.constant 0 : i32
      %dma_start3A_645 = arith.constant 0 : i32
      %dma_start3A_646 = tpu.memref_slice %arg6[%dma_start3A_628, %dma_start3A_644, %dma_start3A_645] : memref<8x50x128xf32, #tpu.memory_space<vmem>> -> memref<1x50x128xf32, #tpu.memory_space<vmem>>
      %dma_start3A_647 = tpu.memref_squeeze %dma_start3A_646 : memref<1x50x128xf32, #tpu.memory_space<vmem>> -> memref<50x128xf32, #tpu.memory_space<vmem>>
      tpu.enqueue_dma source(%dma_start3A_647 : memref<50x128xf32, #tpu.memory_space<vmem>>) target(%dma_start3A_643 : memref<50x128xf32, #tpu.memory_space<hbm>>) target_semaphore(%dma_start3A_639 : memref<!tpu.dma_semaphore, #tpu.memory_space<semaphore_mem>>)
      %add3A_648 = arith.constant 8 : i32
      %add3A_649 = arith.addi %add3A_612, %add3A_648 : i32
      %lt3A_650 = arith.constant 128 : i32
      %lt3A_651 = arith.cmpi slt, %add3A_649, %lt3A_650 : i32
      %convert_element_type3A_652 = arith.extui %lt3A_651 : i1 to i32
      %cond3A_653 = arith.constant 0 : i32
      %cond3A_654 = arith.cmpi ne, %convert_element_type3A_652, %cond3A_653 : i32
      scf.if %cond3A_654 {
        %add3A_655 = arith.addi %mul3A_2, %add3A_612 : i32
        %dma_wait3A_656 = arith.constant 7 : i32
        %dma_wait3A_657 = arith.constant 7 : i32
        %dma_wait3A_658 = arith.constant 0 : i32
        %dma_wait3A_659 = arith.constant 0 : i32
        %dma_wait3A_660 = tpu.memref_slice %arg6[%dma_wait3A_656, %dma_wait3A_658, %dma_wait3A_659] : memref<8x50x128xf32, #tpu.memory_space<vmem>> -> memref<1x50x128xf32, #tpu.memory_space<vmem>>
        %dma_wait3A_661 = tpu.memref_squeeze %dma_wait3A_660 : memref<1x50x128xf32, #tpu.memory_space<vmem>> -> memref<50x128xf32, #tpu.memory_space<vmem>>
        %dma_wait3A_662 = arith.constant 0 : i32
        %dma_wait3A_663 = arith.constant 0 : i32
        %dma_wait3A_664 = tpu.memref_slice %arg4[%add3A_655, %dma_wait3A_662, %dma_wait3A_663] : memref<4096x50x128xf32, #tpu.memory_space<hbm>> -> memref<1x50x128xf32, #tpu.memory_space<hbm>>
        %dma_wait3A_665 = tpu.memref_squeeze %dma_wait3A_664 : memref<1x50x128xf32, #tpu.memory_space<hbm>> -> memref<50x128xf32, #tpu.memory_space<hbm>>
        %dma_wait3A_666 = tpu.memref_slice %arg8[%dma_wait3A_657] : memref<8x!tpu.dma_semaphore, #tpu.memory_space<semaphore_mem>> -> memref<1x!tpu.dma_semaphore, #tpu.memory_space<semaphore_mem>>
        %dma_wait3A_667 = tpu.memref_squeeze %dma_wait3A_666 : memref<1x!tpu.dma_semaphore, #tpu.memory_space<semaphore_mem>> -> memref<!tpu.dma_semaphore, #tpu.memory_space<semaphore_mem>>
        %dma_wait3A_668 = arith.constant 0 : i32
        %dma_wait3A_669 = arith.constant 0 : i32
        %dma_wait3A_670 = tpu.memref_slice %arg4[%add3A_655, %dma_wait3A_668, %dma_wait3A_669] : memref<4096x50x128xf32, #tpu.memory_space<hbm>> -> memref<1x50x128xf32, #tpu.memory_space<hbm>>
        %dma_wait3A_671 = tpu.memref_squeeze %dma_wait3A_670 : memref<1x50x128xf32, #tpu.memory_space<hbm>> -> memref<50x128xf32, #tpu.memory_space<hbm>>
        %dma_wait3A_672 = arith.constant 0 : i32
        %dma_wait3A_673 = arith.constant 0 : i32
        %dma_wait3A_674 = tpu.memref_slice %arg6[%dma_wait3A_656, %dma_wait3A_672, %dma_wait3A_673] : memref<8x50x128xf32, #tpu.memory_space<vmem>> -> memref<1x50x128xf32, #tpu.memory_space<vmem>>
        %dma_wait3A_675 = tpu.memref_squeeze %dma_wait3A_674 : memref<1x50x128xf32, #tpu.memory_space<vmem>> -> memref<50x128xf32, #tpu.memory_space<vmem>>
        tpu.wait_dma2 semaphore(%dma_wait3A_667 : memref<!tpu.dma_semaphore, #tpu.memory_space<semaphore_mem>>) src(%dma_wait3A_675 : memref<50x128xf32, #tpu.memory_space<vmem>>) dst(%dma_wait3A_671 : memref<50x128xf32, #tpu.memory_space<hbm>>)
        %add3A_676 = arith.constant 8 : i32
        %add3A_677 = arith.addi %add3A_612, %add3A_676 : i32
        %dma_start3A_678 = arith.constant 7 : i32
        %dma_start3A_679 = arith.constant 7 : i32
        %dma_start3A_680 = arith.constant 0 : i32
        %dma_start3A_681 = arith.constant 0 : i32
        %dma_start3A_682 = tpu.memref_slice %arg6[%dma_start3A_678, %dma_start3A_680, %dma_start3A_681] : memref<8x50x128xf32, #tpu.memory_space<vmem>> -> memref<1x50x128xf32, #tpu.memory_space<vmem>>
        %dma_start3A_683 = tpu.memref_squeeze %dma_start3A_682 : memref<1x50x128xf32, #tpu.memory_space<vmem>> -> memref<50x128xf32, #tpu.memory_space<vmem>>
        %dma_start3A_684 = arith.constant 0 : i32
        %dma_start3A_685 = tpu.memref_slice %arg5[%add3A_677, %dma_start3A_684] : memref<128x128xi32, #tpu.memory_space<vmem>> -> memref<1x50xi32, #tpu.memory_space<vmem>>
        %dma_start3A_686 = tpu.memref_squeeze %dma_start3A_685 : memref<1x50xi32, #tpu.memory_space<vmem>> -> memref<50xi32, #tpu.memory_space<vmem>>
        %dma_start3A_687 = arith.constant 0 : i32
        %dma_start3A_688 = arith.constant 0 : i32
        %dma_start3A_689 = tpu.memref_slice %arg3[%dma_start3A_687, %dma_start3A_688] : memref<100000x128xf32, #tpu.memory_space<hbm>> -> memref<100000x128xf32, #tpu.memory_space<hbm>>
        %dma_start3A_690 = tpu.memref_slice %arg7[%dma_start3A_679] : memref<8x!tpu.dma_semaphore, #tpu.memory_space<semaphore_mem>> -> memref<1x!tpu.dma_semaphore, #tpu.memory_space<semaphore_mem>>
        %dma_start3A_691 = tpu.memref_squeeze %dma_start3A_690 : memref<1x!tpu.dma_semaphore, #tpu.memory_space<semaphore_mem>> -> memref<!tpu.dma_semaphore, #tpu.memory_space<semaphore_mem>>
        tpu.enqueue_indirect_dma source(%dma_start3A_689 : memref<100000x128xf32, #tpu.memory_space<hbm>>) target(%dma_start3A_683 : memref<50x128xf32, #tpu.memory_space<vmem>>) offsets(%dma_start3A_686 : memref<50xi32, #tpu.memory_space<vmem>>) semaphore(%dma_start3A_691 : memref<!tpu.dma_semaphore, #tpu.memory_space<semaphore_mem>>)
      } else {
      }
    }
    %scan3A_125 = arith.constant 16 : i32
    %add3A_126 = arith.constant 120 : i32
    %add3A_127 = arith.addi %mul3A_2, %add3A_126 : i32
    %dma_wait3A = arith.constant 0 : i32
    %dma_wait3A_128 = arith.constant 0 : i32
    %dma_wait3A_129 = arith.constant 0 : i32
    %dma_wait3A_130 = arith.constant 0 : i32
    %dma_wait3A_131 = tpu.memref_slice %arg6[%dma_wait3A, %dma_wait3A_129, %dma_wait3A_130] : memref<8x50x128xf32, #tpu.memory_space<vmem>> -> memref<1x50x128xf32, #tpu.memory_space<vmem>>
    %dma_wait3A_132 = tpu.memref_squeeze %dma_wait3A_131 : memref<1x50x128xf32, #tpu.memory_space<vmem>> -> memref<50x128xf32, #tpu.memory_space<vmem>>
    %dma_wait3A_133 = arith.constant 0 : i32
    %dma_wait3A_134 = arith.constant 0 : i32
    %dma_wait3A_135 = tpu.memref_slice %arg4[%add3A_127, %dma_wait3A_133, %dma_wait3A_134] : memref<4096x50x128xf32, #tpu.memory_space<hbm>> -> memref<1x50x128xf32, #tpu.memory_space<hbm>>
    %dma_wait3A_136 = tpu.memref_squeeze %dma_wait3A_135 : memref<1x50x128xf32, #tpu.memory_space<hbm>> -> memref<50x128xf32, #tpu.memory_space<hbm>>
    %dma_wait3A_137 = tpu.memref_slice %arg8[%dma_wait3A_128] : memref<8x!tpu.dma_semaphore, #tpu.memory_space<semaphore_mem>> -> memref<1x!tpu.dma_semaphore, #tpu.memory_space<semaphore_mem>>
    %dma_wait3A_138 = tpu.memref_squeeze %dma_wait3A_137 : memref<1x!tpu.dma_semaphore, #tpu.memory_space<semaphore_mem>> -> memref<!tpu.dma_semaphore, #tpu.memory_space<semaphore_mem>>
    %dma_wait3A_139 = arith.constant 0 : i32
    %dma_wait3A_140 = arith.constant 0 : i32
    %dma_wait3A_141 = tpu.memref_slice %arg4[%add3A_127, %dma_wait3A_139, %dma_wait3A_140] : memref<4096x50x128xf32, #tpu.memory_space<hbm>> -> memref<1x50x128xf32, #tpu.memory_space<hbm>>
    %dma_wait3A_142 = tpu.memref_squeeze %dma_wait3A_141 : memref<1x50x128xf32, #tpu.memory_space<hbm>> -> memref<50x128xf32, #tpu.memory_space<hbm>>
    %dma_wait3A_143 = arith.constant 0 : i32
    %dma_wait3A_144 = arith.constant 0 : i32
    %dma_wait3A_145 = tpu.memref_slice %arg6[%dma_wait3A, %dma_wait3A_143, %dma_wait3A_144] : memref<8x50x128xf32, #tpu.memory_space<vmem>> -> memref<1x50x128xf32, #tpu.memory_space<vmem>>
    %dma_wait3A_146 = tpu.memref_squeeze %dma_wait3A_145 : memref<1x50x128xf32, #tpu.memory_space<vmem>> -> memref<50x128xf32, #tpu.memory_space<vmem>>
    tpu.wait_dma2 semaphore(%dma_wait3A_138 : memref<!tpu.dma_semaphore, #tpu.memory_space<semaphore_mem>>) src(%dma_wait3A_146 : memref<50x128xf32, #tpu.memory_space<vmem>>) dst(%dma_wait3A_142 : memref<50x128xf32, #tpu.memory_space<hbm>>)
    %add3A_147 = arith.constant 121 : i32
    %add3A_148 = arith.addi %mul3A_2, %add3A_147 : i32
    %dma_wait3A_149 = arith.constant 1 : i32
    %dma_wait3A_150 = arith.constant 1 : i32
    %dma_wait3A_151 = arith.constant 0 : i32
    %dma_wait3A_152 = arith.constant 0 : i32
    %dma_wait3A_153 = tpu.memref_slice %arg6[%dma_wait3A_149, %dma_wait3A_151, %dma_wait3A_152] : memref<8x50x128xf32, #tpu.memory_space<vmem>> -> memref<1x50x128xf32, #tpu.memory_space<vmem>>
    %dma_wait3A_154 = tpu.memref_squeeze %dma_wait3A_153 : memref<1x50x128xf32, #tpu.memory_space<vmem>> -> memref<50x128xf32, #tpu.memory_space<vmem>>
    %dma_wait3A_155 = arith.constant 0 : i32
    %dma_wait3A_156 = arith.constant 0 : i32
    %dma_wait3A_157 = tpu.memref_slice %arg4[%add3A_148, %dma_wait3A_155, %dma_wait3A_156] : memref<4096x50x128xf32, #tpu.memory_space<hbm>> -> memref<1x50x128xf32, #tpu.memory_space<hbm>>
    %dma_wait3A_158 = tpu.memref_squeeze %dma_wait3A_157 : memref<1x50x128xf32, #tpu.memory_space<hbm>> -> memref<50x128xf32, #tpu.memory_space<hbm>>
    %dma_wait3A_159 = tpu.memref_slice %arg8[%dma_wait3A_150] : memref<8x!tpu.dma_semaphore, #tpu.memory_space<semaphore_mem>> -> memref<1x!tpu.dma_semaphore, #tpu.memory_space<semaphore_mem>>
    %dma_wait3A_160 = tpu.memref_squeeze %dma_wait3A_159 : memref<1x!tpu.dma_semaphore, #tpu.memory_space<semaphore_mem>> -> memref<!tpu.dma_semaphore, #tpu.memory_space<semaphore_mem>>
    %dma_wait3A_161 = arith.constant 0 : i32
    %dma_wait3A_162 = arith.constant 0 : i32
    %dma_wait3A_163 = tpu.memref_slice %arg4[%add3A_148, %dma_wait3A_161, %dma_wait3A_162] : memref<4096x50x128xf32, #tpu.memory_space<hbm>> -> memref<1x50x128xf32, #tpu.memory_space<hbm>>
    %dma_wait3A_164 = tpu.memref_squeeze %dma_wait3A_163 : memref<1x50x128xf32, #tpu.memory_space<hbm>> -> memref<50x128xf32, #tpu.memory_space<hbm>>
    %dma_wait3A_165 = arith.constant 0 : i32
    %dma_wait3A_166 = arith.constant 0 : i32
    %dma_wait3A_167 = tpu.memref_slice %arg6[%dma_wait3A_149, %dma_wait3A_165, %dma_wait3A_166] : memref<8x50x128xf32, #tpu.memory_space<vmem>> -> memref<1x50x128xf32, #tpu.memory_space<vmem>>
    %dma_wait3A_168 = tpu.memref_squeeze %dma_wait3A_167 : memref<1x50x128xf32, #tpu.memory_space<vmem>> -> memref<50x128xf32, #tpu.memory_space<vmem>>
    tpu.wait_dma2 semaphore(%dma_wait3A_160 : memref<!tpu.dma_semaphore, #tpu.memory_space<semaphore_mem>>) src(%dma_wait3A_168 : memref<50x128xf32, #tpu.memory_space<vmem>>) dst(%dma_wait3A_164 : memref<50x128xf32, #tpu.memory_space<hbm>>)
    %add3A_169 = arith.constant 122 : i32
    %add3A_170 = arith.addi %mul3A_2, %add3A_169 : i32
    %dma_wait3A_171 = arith.constant 2 : i32
    %dma_wait3A_172 = arith.constant 2 : i32
    %dma_wait3A_173 = arith.constant 0 : i32
    %dma_wait3A_174 = arith.constant 0 : i32
    %dma_wait3A_175 = tpu.memref_slice %arg6[%dma_wait3A_171, %dma_wait3A_173, %dma_wait3A_174] : memref<8x50x128xf32, #tpu.memory_space<vmem>> -> memref<1x50x128xf32, #tpu.memory_space<vmem>>
    %dma_wait3A_176 = tpu.memref_squeeze %dma_wait3A_175 : memref<1x50x128xf32, #tpu.memory_space<vmem>> -> memref<50x128xf32, #tpu.memory_space<vmem>>
    %dma_wait3A_177 = arith.constant 0 : i32
    %dma_wait3A_178 = arith.constant 0 : i32
    %dma_wait3A_179 = tpu.memref_slice %arg4[%add3A_170, %dma_wait3A_177, %dma_wait3A_178] : memref<4096x50x128xf32, #tpu.memory_space<hbm>> -> memref<1x50x128xf32, #tpu.memory_space<hbm>>
    %dma_wait3A_180 = tpu.memref_squeeze %dma_wait3A_179 : memref<1x50x128xf32, #tpu.memory_space<hbm>> -> memref<50x128xf32, #tpu.memory_space<hbm>>
    %dma_wait3A_181 = tpu.memref_slice %arg8[%dma_wait3A_172] : memref<8x!tpu.dma_semaphore, #tpu.memory_space<semaphore_mem>> -> memref<1x!tpu.dma_semaphore, #tpu.memory_space<semaphore_mem>>
    %dma_wait3A_182 = tpu.memref_squeeze %dma_wait3A_181 : memref<1x!tpu.dma_semaphore, #tpu.memory_space<semaphore_mem>> -> memref<!tpu.dma_semaphore, #tpu.memory_space<semaphore_mem>>
    %dma_wait3A_183 = arith.constant 0 : i32
    %dma_wait3A_184 = arith.constant 0 : i32
    %dma_wait3A_185 = tpu.memref_slice %arg4[%add3A_170, %dma_wait3A_183, %dma_wait3A_184] : memref<4096x50x128xf32, #tpu.memory_space<hbm>> -> memref<1x50x128xf32, #tpu.memory_space<hbm>>
    %dma_wait3A_186 = tpu.memref_squeeze %dma_wait3A_185 : memref<1x50x128xf32, #tpu.memory_space<hbm>> -> memref<50x128xf32, #tpu.memory_space<hbm>>
    %dma_wait3A_187 = arith.constant 0 : i32
    %dma_wait3A_188 = arith.constant 0 : i32
    %dma_wait3A_189 = tpu.memref_slice %arg6[%dma_wait3A_171, %dma_wait3A_187, %dma_wait3A_188] : memref<8x50x128xf32, #tpu.memory_space<vmem>> -> memref<1x50x128xf32, #tpu.memory_space<vmem>>
    %dma_wait3A_190 = tpu.memref_squeeze %dma_wait3A_189 : memref<1x50x128xf32, #tpu.memory_space<vmem>> -> memref<50x128xf32, #tpu.memory_space<vmem>>
    tpu.wait_dma2 semaphore(%dma_wait3A_182 : memref<!tpu.dma_semaphore, #tpu.memory_space<semaphore_mem>>) src(%dma_wait3A_190 : memref<50x128xf32, #tpu.memory_space<vmem>>) dst(%dma_wait3A_186 : memref<50x128xf32, #tpu.memory_space<hbm>>)
    %add3A_191 = arith.constant 123 : i32
    %add3A_192 = arith.addi %mul3A_2, %add3A_191 : i32
    %dma_wait3A_193 = arith.constant 3 : i32
    %dma_wait3A_194 = arith.constant 3 : i32
    %dma_wait3A_195 = arith.constant 0 : i32
    %dma_wait3A_196 = arith.constant 0 : i32
    %dma_wait3A_197 = tpu.memref_slice %arg6[%dma_wait3A_193, %dma_wait3A_195, %dma_wait3A_196] : memref<8x50x128xf32, #tpu.memory_space<vmem>> -> memref<1x50x128xf32, #tpu.memory_space<vmem>>
    %dma_wait3A_198 = tpu.memref_squeeze %dma_wait3A_197 : memref<1x50x128xf32, #tpu.memory_space<vmem>> -> memref<50x128xf32, #tpu.memory_space<vmem>>
    %dma_wait3A_199 = arith.constant 0 : i32
    %dma_wait3A_200 = arith.constant 0 : i32
    %dma_wait3A_201 = tpu.memref_slice %arg4[%add3A_192, %dma_wait3A_199, %dma_wait3A_200] : memref<4096x50x128xf32, #tpu.memory_space<hbm>> -> memref<1x50x128xf32, #tpu.memory_space<hbm>>
    %dma_wait3A_202 = tpu.memref_squeeze %dma_wait3A_201 : memref<1x50x128xf32, #tpu.memory_space<hbm>> -> memref<50x128xf32, #tpu.memory_space<hbm>>
    %dma_wait3A_203 = tpu.memref_slice %arg8[%dma_wait3A_194] : memref<8x!tpu.dma_semaphore, #tpu.memory_space<semaphore_mem>> -> memref<1x!tpu.dma_semaphore, #tpu.memory_space<semaphore_mem>>
    %dma_wait3A_204 = tpu.memref_squeeze %dma_wait3A_203 : memref<1x!tpu.dma_semaphore, #tpu.memory_space<semaphore_mem>> -> memref<!tpu.dma_semaphore, #tpu.memory_space<semaphore_mem>>
    %dma_wait3A_205 = arith.constant 0 : i32
    %dma_wait3A_206 = arith.constant 0 : i32
    %dma_wait3A_207 = tpu.memref_slice %arg4[%add3A_192, %dma_wait3A_205, %dma_wait3A_206] : memref<4096x50x128xf32, #tpu.memory_space<hbm>> -> memref<1x50x128xf32, #tpu.memory_space<hbm>>
    %dma_wait3A_208 = tpu.memref_squeeze %dma_wait3A_207 : memref<1x50x128xf32, #tpu.memory_space<hbm>> -> memref<50x128xf32, #tpu.memory_space<hbm>>
    %dma_wait3A_209 = arith.constant 0 : i32
    %dma_wait3A_210 = arith.constant 0 : i32
    %dma_wait3A_211 = tpu.memref_slice %arg6[%dma_wait3A_193, %dma_wait3A_209, %dma_wait3A_210] : memref<8x50x128xf32, #tpu.memory_space<vmem>> -> memref<1x50x128xf32, #tpu.memory_space<vmem>>
    %dma_wait3A_212 = tpu.memref_squeeze %dma_wait3A_211 : memref<1x50x128xf32, #tpu.memory_space<vmem>> -> memref<50x128xf32, #tpu.memory_space<vmem>>
    tpu.wait_dma2 semaphore(%dma_wait3A_204 : memref<!tpu.dma_semaphore, #tpu.memory_space<semaphore_mem>>) src(%dma_wait3A_212 : memref<50x128xf32, #tpu.memory_space<vmem>>) dst(%dma_wait3A_208 : memref<50x128xf32, #tpu.memory_space<hbm>>)
    %add3A_213 = arith.constant 124 : i32
    %add3A_214 = arith.addi %mul3A_2, %add3A_213 : i32
    %dma_wait3A_215 = arith.constant 4 : i32
    %dma_wait3A_216 = arith.constant 4 : i32
    %dma_wait3A_217 = arith.constant 0 : i32
    %dma_wait3A_218 = arith.constant 0 : i32
    %dma_wait3A_219 = tpu.memref_slice %arg6[%dma_wait3A_215, %dma_wait3A_217, %dma_wait3A_218] : memref<8x50x128xf32, #tpu.memory_space<vmem>> -> memref<1x50x128xf32, #tpu.memory_space<vmem>>
    %dma_wait3A_220 = tpu.memref_squeeze %dma_wait3A_219 : memref<1x50x128xf32, #tpu.memory_space<vmem>> -> memref<50x128xf32, #tpu.memory_space<vmem>>
    %dma_wait3A_221 = arith.constant 0 : i32
    %dma_wait3A_222 = arith.constant 0 : i32
    %dma_wait3A_223 = tpu.memref_slice %arg4[%add3A_214, %dma_wait3A_221, %dma_wait3A_222] : memref<4096x50x128xf32, #tpu.memory_space<hbm>> -> memref<1x50x128xf32, #tpu.memory_space<hbm>>
    %dma_wait3A_224 = tpu.memref_squeeze %dma_wait3A_223 : memref<1x50x128xf32, #tpu.memory_space<hbm>> -> memref<50x128xf32, #tpu.memory_space<hbm>>
    %dma_wait3A_225 = tpu.memref_slice %arg8[%dma_wait3A_216] : memref<8x!tpu.dma_semaphore, #tpu.memory_space<semaphore_mem>> -> memref<1x!tpu.dma_semaphore, #tpu.memory_space<semaphore_mem>>
    %dma_wait3A_226 = tpu.memref_squeeze %dma_wait3A_225 : memref<1x!tpu.dma_semaphore, #tpu.memory_space<semaphore_mem>> -> memref<!tpu.dma_semaphore, #tpu.memory_space<semaphore_mem>>
    %dma_wait3A_227 = arith.constant 0 : i32
    %dma_wait3A_228 = arith.constant 0 : i32
    %dma_wait3A_229 = tpu.memref_slice %arg4[%add3A_214, %dma_wait3A_227, %dma_wait3A_228] : memref<4096x50x128xf32, #tpu.memory_space<hbm>> -> memref<1x50x128xf32, #tpu.memory_space<hbm>>
    %dma_wait3A_230 = tpu.memref_squeeze %dma_wait3A_229 : memref<1x50x128xf32, #tpu.memory_space<hbm>> -> memref<50x128xf32, #tpu.memory_space<hbm>>
    %dma_wait3A_231 = arith.constant 0 : i32
    %dma_wait3A_232 = arith.constant 0 : i32
    %dma_wait3A_233 = tpu.memref_slice %arg6[%dma_wait3A_215, %dma_wait3A_231, %dma_wait3A_232] : memref<8x50x128xf32, #tpu.memory_space<vmem>> -> memref<1x50x128xf32, #tpu.memory_space<vmem>>
    %dma_wait3A_234 = tpu.memref_squeeze %dma_wait3A_233 : memref<1x50x128xf32, #tpu.memory_space<vmem>> -> memref<50x128xf32, #tpu.memory_space<vmem>>
    tpu.wait_dma2 semaphore(%dma_wait3A_226 : memref<!tpu.dma_semaphore, #tpu.memory_space<semaphore_mem>>) src(%dma_wait3A_234 : memref<50x128xf32, #tpu.memory_space<vmem>>) dst(%dma_wait3A_230 : memref<50x128xf32, #tpu.memory_space<hbm>>)
    %add3A_235 = arith.constant 125 : i32
    %add3A_236 = arith.addi %mul3A_2, %add3A_235 : i32
    %dma_wait3A_237 = arith.constant 5 : i32
    %dma_wait3A_238 = arith.constant 5 : i32
    %dma_wait3A_239 = arith.constant 0 : i32
    %dma_wait3A_240 = arith.constant 0 : i32
    %dma_wait3A_241 = tpu.memref_slice %arg6[%dma_wait3A_237, %dma_wait3A_239, %dma_wait3A_240] : memref<8x50x128xf32, #tpu.memory_space<vmem>> -> memref<1x50x128xf32, #tpu.memory_space<vmem>>
    %dma_wait3A_242 = tpu.memref_squeeze %dma_wait3A_241 : memref<1x50x128xf32, #tpu.memory_space<vmem>> -> memref<50x128xf32, #tpu.memory_space<vmem>>
    %dma_wait3A_243 = arith.constant 0 : i32
    %dma_wait3A_244 = arith.constant 0 : i32
    %dma_wait3A_245 = tpu.memref_slice %arg4[%add3A_236, %dma_wait3A_243, %dma_wait3A_244] : memref<4096x50x128xf32, #tpu.memory_space<hbm>> -> memref<1x50x128xf32, #tpu.memory_space<hbm>>
    %dma_wait3A_246 = tpu.memref_squeeze %dma_wait3A_245 : memref<1x50x128xf32, #tpu.memory_space<hbm>> -> memref<50x128xf32, #tpu.memory_space<hbm>>
    %dma_wait3A_247 = tpu.memref_slice %arg8[%dma_wait3A_238] : memref<8x!tpu.dma_semaphore, #tpu.memory_space<semaphore_mem>> -> memref<1x!tpu.dma_semaphore, #tpu.memory_space<semaphore_mem>>
    %dma_wait3A_248 = tpu.memref_squeeze %dma_wait3A_247 : memref<1x!tpu.dma_semaphore, #tpu.memory_space<semaphore_mem>> -> memref<!tpu.dma_semaphore, #tpu.memory_space<semaphore_mem>>
    %dma_wait3A_249 = arith.constant 0 : i32
    %dma_wait3A_250 = arith.constant 0 : i32
    %dma_wait3A_251 = tpu.memref_slice %arg4[%add3A_236, %dma_wait3A_249, %dma_wait3A_250] : memref<4096x50x128xf32, #tpu.memory_space<hbm>> -> memref<1x50x128xf32, #tpu.memory_space<hbm>>
    %dma_wait3A_252 = tpu.memref_squeeze %dma_wait3A_251 : memref<1x50x128xf32, #tpu.memory_space<hbm>> -> memref<50x128xf32, #tpu.memory_space<hbm>>
    %dma_wait3A_253 = arith.constant 0 : i32
    %dma_wait3A_254 = arith.constant 0 : i32
    %dma_wait3A_255 = tpu.memref_slice %arg6[%dma_wait3A_237, %dma_wait3A_253, %dma_wait3A_254] : memref<8x50x128xf32, #tpu.memory_space<vmem>> -> memref<1x50x128xf32, #tpu.memory_space<vmem>>
    %dma_wait3A_256 = tpu.memref_squeeze %dma_wait3A_255 : memref<1x50x128xf32, #tpu.memory_space<vmem>> -> memref<50x128xf32, #tpu.memory_space<vmem>>
    tpu.wait_dma2 semaphore(%dma_wait3A_248 : memref<!tpu.dma_semaphore, #tpu.memory_space<semaphore_mem>>) src(%dma_wait3A_256 : memref<50x128xf32, #tpu.memory_space<vmem>>) dst(%dma_wait3A_252 : memref<50x128xf32, #tpu.memory_space<hbm>>)
    %add3A_257 = arith.constant 126 : i32
    %add3A_258 = arith.addi %mul3A_2, %add3A_257 : i32
    %dma_wait3A_259 = arith.constant 6 : i32
    %dma_wait3A_260 = arith.constant 6 : i32
    %dma_wait3A_261 = arith.constant 0 : i32
    %dma_wait3A_262 = arith.constant 0 : i32
    %dma_wait3A_263 = tpu.memref_slice %arg6[%dma_wait3A_259, %dma_wait3A_261, %dma_wait3A_262] : memref<8x50x128xf32, #tpu.memory_space<vmem>> -> memref<1x50x128xf32, #tpu.memory_space<vmem>>
    %dma_wait3A_264 = tpu.memref_squeeze %dma_wait3A_263 : memref<1x50x128xf32, #tpu.memory_space<vmem>> -> memref<50x128xf32, #tpu.memory_space<vmem>>
    %dma_wait3A_265 = arith.constant 0 : i32
    %dma_wait3A_266 = arith.constant 0 : i32
    %dma_wait3A_267 = tpu.memref_slice %arg4[%add3A_258, %dma_wait3A_265, %dma_wait3A_266] : memref<4096x50x128xf32, #tpu.memory_space<hbm>> -> memref<1x50x128xf32, #tpu.memory_space<hbm>>
    %dma_wait3A_268 = tpu.memref_squeeze %dma_wait3A_267 : memref<1x50x128xf32, #tpu.memory_space<hbm>> -> memref<50x128xf32, #tpu.memory_space<hbm>>
    %dma_wait3A_269 = tpu.memref_slice %arg8[%dma_wait3A_260] : memref<8x!tpu.dma_semaphore, #tpu.memory_space<semaphore_mem>> -> memref<1x!tpu.dma_semaphore, #tpu.memory_space<semaphore_mem>>
    %dma_wait3A_270 = tpu.memref_squeeze %dma_wait3A_269 : memref<1x!tpu.dma_semaphore, #tpu.memory_space<semaphore_mem>> -> memref<!tpu.dma_semaphore, #tpu.memory_space<semaphore_mem>>
    %dma_wait3A_271 = arith.constant 0 : i32
    %dma_wait3A_272 = arith.constant 0 : i32
    %dma_wait3A_273 = tpu.memref_slice %arg4[%add3A_258, %dma_wait3A_271, %dma_wait3A_272] : memref<4096x50x128xf32, #tpu.memory_space<hbm>> -> memref<1x50x128xf32, #tpu.memory_space<hbm>>
    %dma_wait3A_274 = tpu.memref_squeeze %dma_wait3A_273 : memref<1x50x128xf32, #tpu.memory_space<hbm>> -> memref<50x128xf32, #tpu.memory_space<hbm>>
    %dma_wait3A_275 = arith.constant 0 : i32
    %dma_wait3A_276 = arith.constant 0 : i32
    %dma_wait3A_277 = tpu.memref_slice %arg6[%dma_wait3A_259, %dma_wait3A_275, %dma_wait3A_276] : memref<8x50x128xf32, #tpu.memory_space<vmem>> -> memref<1x50x128xf32, #tpu.memory_space<vmem>>
    %dma_wait3A_278 = tpu.memref_squeeze %dma_wait3A_277 : memref<1x50x128xf32, #tpu.memory_space<vmem>> -> memref<50x128xf32, #tpu.memory_space<vmem>>
    tpu.wait_dma2 semaphore(%dma_wait3A_270 : memref<!tpu.dma_semaphore, #tpu.memory_space<semaphore_mem>>) src(%dma_wait3A_278 : memref<50x128xf32, #tpu.memory_space<vmem>>) dst(%dma_wait3A_274 : memref<50x128xf32, #tpu.memory_space<hbm>>)
    %add3A_279 = arith.constant 127 : i32
    %add3A_280 = arith.addi %mul3A_2, %add3A_279 : i32
    %dma_wait3A_281 = arith.constant 7 : i32
    %dma_wait3A_282 = arith.constant 7 : i32
    %dma_wait3A_283 = arith.constant 0 : i32
    %dma_wait3A_284 = arith.constant 0 : i32
    %dma_wait3A_285 = tpu.memref_slice %arg6[%dma_wait3A_281, %dma_wait3A_283, %dma_wait3A_284] : memref<8x50x128xf32, #tpu.memory_space<vmem>> -> memref<1x50x128xf32, #tpu.memory_space<vmem>>
    %dma_wait3A_286 = tpu.memref_squeeze %dma_wait3A_285 : memref<1x50x128xf32, #tpu.memory_space<vmem>> -> memref<50x128xf32, #tpu.memory_space<vmem>>
    %dma_wait3A_287 = arith.constant 0 : i32
    %dma_wait3A_288 = arith.constant 0 : i32
    %dma_wait3A_289 = tpu.memref_slice %arg4[%add3A_280, %dma_wait3A_287, %dma_wait3A_288] : memref<4096x50x128xf32, #tpu.memory_space<hbm>> -> memref<1x50x128xf32, #tpu.memory_space<hbm>>
    %dma_wait3A_290 = tpu.memref_squeeze %dma_wait3A_289 : memref<1x50x128xf32, #tpu.memory_space<hbm>> -> memref<50x128xf32, #tpu.memory_space<hbm>>
    %dma_wait3A_291 = tpu.memref_slice %arg8[%dma_wait3A_282] : memref<8x!tpu.dma_semaphore, #tpu.memory_space<semaphore_mem>> -> memref<1x!tpu.dma_semaphore, #tpu.memory_space<semaphore_mem>>
    %dma_wait3A_292 = tpu.memref_squeeze %dma_wait3A_291 : memref<1x!tpu.dma_semaphore, #tpu.memory_space<semaphore_mem>> -> memref<!tpu.dma_semaphore, #tpu.memory_space<semaphore_mem>>
    %dma_wait3A_293 = arith.constant 0 : i32
    %dma_wait3A_294 = arith.constant 0 : i32
    %dma_wait3A_295 = tpu.memref_slice %arg4[%add3A_280, %dma_wait3A_293, %dma_wait3A_294] : memref<4096x50x128xf32, #tpu.memory_space<hbm>> -> memref<1x50x128xf32, #tpu.memory_space<hbm>>
    %dma_wait3A_296 = tpu.memref_squeeze %dma_wait3A_295 : memref<1x50x128xf32, #tpu.memory_space<hbm>> -> memref<50x128xf32, #tpu.memory_space<hbm>>
    %dma_wait3A_297 = arith.constant 0 : i32
    %dma_wait3A_298 = arith.constant 0 : i32
    %dma_wait3A_299 = tpu.memref_slice %arg6[%dma_wait3A_281, %dma_wait3A_297, %dma_wait3A_298] : memref<8x50x128xf32, #tpu.memory_space<vmem>> -> memref<1x50x128xf32, #tpu.memory_space<vmem>>
    %dma_wait3A_300 = tpu.memref_squeeze %dma_wait3A_299 : memref<1x50x128xf32, #tpu.memory_space<vmem>> -> memref<50x128xf32, #tpu.memory_space<vmem>>
    tpu.wait_dma2 semaphore(%dma_wait3A_292 : memref<!tpu.dma_semaphore, #tpu.memory_space<semaphore_mem>>) src(%dma_wait3A_300 : memref<50x128xf32, #tpu.memory_space<vmem>>) dst(%dma_wait3A_296 : memref<50x128xf32, #tpu.memory_space<hbm>>)
    return
  }
}

</mosaic_0001>

<sc_bundles>
// kernel: kernel.3.cloned.1.call-start
scs
__scs_entry_jumppad:
0x0: {  	(pc) =	sbr.rel $0x88, $3  }
0x1: {  	(tag) =	ssettag $0x0;
	lr =	simm.s32 $0x1  }
0x2: {  	[smem:$0x3F9F] =	sst lr;
	_ =	strace $0xD0000000  }
0x3: {  	_ = 	snop  }
0x4: {  	_ = 	snop  }
0x5: {  	_ = 	snop  }
0x6: {  	_ = 	snop  }
0x7: {  	_ = 	snop  }
__scs_overlays_trampoline_lowered:
0x8: {  	[smem:$0x3FAE] =	sst s0  }
0x9: {  	[smem:$0x3FAF] =	sst s1  }
0xa: {  	[smem:$0x3FB0] =	sst s2  }
0xb: {  	[smem:$0x3FB1] =	sst s3  }
0xc: {  	[smem:$0x3FB2] =	sst s4  }
0xd: {  	[smem:$0x3FB3] =	sst s5  }
0xe: {  	[smem:$0x3FB4] =	sst s6  }
0xf: {  	[smem:$0x3FB5] =	sst s7  }
0x10: {  	[smem:$0x3FB6] =	sst s8  }
0x11: {  	[smem:$0x3FB7] =	sst s9;
	s0 =	simm.s32 @!p0 $0x0  }
0x12: {  	s1 =	sld [smem:$0x3F9D];
	s0 =	simm.s32 @p0 $0x1  }
0x13: {  	[smem:$0x3FB8] =	sst s0;
	s0 =	simm.s32 @!p1 $0x0  }
0x14: {  	s2 =	sld [smem:$0x3F9C];
	s0 =	simm.s32 @p1 $0x1  }
0x15: {  	[smem:$0x3FB9] =	sst s0;
	s0 =	simm.s32 @!p2 $0x0  }
0x16: {  	s3 =	sld [smem:$0x3FDB];
	s0 =	simm.s32 @p2 $0x1  }
0x17: {  	s4 =	simm.s32 $0x1BF5;
	[smem:$0x3FBB] =	sst s0  }
0x18: {  	s0 =	sld [smem:$0x3F9E];
	_ =	swait.ge [sflag:s4], $0x0  }
0x19: {  	s7 =	sld [smem:$0x3F9F]  }
0x1a: {  	s8 =	sadd.s32 $0xFFFFE003, lr  }
0x1b: {  	s9 =	sadd.s32 $0xFFFFFEF7, lr;
	s5 =	simm.s32 $0xFFFFFFFF;
	p2 =	slt.u32 s8, $0xFFFFF086  }
0x1c: {  	p1 =	slt.u32 s9, $0xF7A;
	s5 =	simm.s32 @!p2 $0x0  }
0x1d: {  	s5 =	simm.s32 @p1 $0x1;
	p0 =	seq.s32 s7, s2  }
0x1e: {  	s7 =	smul.u32 @!p0 $0xF7A, s2;
	p2 =	seq.s32 @!p0 s5, $0x0  }
0x1f: {  	s9 =	smul.u32 $0xF7A, s1;
	s8 =	simm.s32 @!p0 $0x1BF5;
	p2 =	por !p2, p0  }
0x20: {  	[sflag:s8] =	ssyncset.s32 @!p0 $0xFFFFF086;
	s6 =	sadd.s32 @!p0 s3, s7;
	s7 =	simm.s32 @!p0 $0x108  }
0x21: {  	s3 =	sadd.s32 s3, s9;
	s6 =	sadd.s32 @!p0 $0x88, s6;
	s7 =	simm.s32 @p2 $0x1082  }
0x22: {  	[simem:s7], [sflag:s8] =	dma.local @!p0 [hbm:s6], $0xF7A  }
0x23: {  	s9 =	sor.u32 $0xD0000000, s2;
	s6 =	simm.s32 $0x108;
	_ =	swait.ge @!p0 [sflag:s8], $0x0  }
0x24: {  	s3 =	sadd.s32 $0x88, s3;
	s6 =	simm.s32 @!p1 $0x1082;
	[sflag:s4] =	ssyncset.s32 $0xFFFFF086  }
0x25: {  	[simem:s6], [sflag:s4] =	dma.local [hbm:s3], $0xF7A  }
0x26: {  	[smem:$0x3F9F] =	sst s1;
	(tag) =	ssettag s2;
	_ =	strace s9  }
0x27: {  	s1 =	sld [smem:$0x3FAF]  }
0x28: {  	s2 =	sld [smem:$0x3FB0]  }
0x29: {  	s4 =	sld [smem:$0x3FB2]  }
0x2a: {  	p0 =	seq.s32 s5, $0x0;
	s5 =	sld [smem:$0x3FB3]  }
0x2b: {  	s6 =	sld [smem:$0x3FB4]  }
0x2c: {  	s7 =	sld [smem:$0x3FB5]  }
0x2d: {  	s3 =	simm.s32 $0x108;
	s8 =	sld [smem:$0x3FB6]  }
0x2e: {  	s3 =	simm.s32 @!p0 $0x1082;
	s9 =	sld [smem:$0x3FB7]  }
0x2f: {  	lr =	sadd.s32 s0, s3;
	s0 =	sld [smem:$0x3FAE]  }
0x30: {  	s3 =	sld [smem:$0x3FB1]  }
0x31: {  	[smem:$0x3FBA] =	sst s10  }
0x32: {  	s10 =	sld [smem:$0x3FB8];
	_ =	sdelay $0x3  }
0x33: {  	p0 =	seq.s32 s10, $0x1;
	s10 =	sld [smem:$0x3FBA];
	_ =	sdelay $0x3  }
0x34: {  	[smem:$0x3FBA] =	sst s10  }
0x35: {  	s10 =	sld [smem:$0x3FB9];
	_ =	sdelay $0x3  }
0x36: {  	p1 =	seq.s32 s10, $0x1;
	s10 =	sld [smem:$0x3FBA];
	_ =	sdelay $0x3  }
0x37: {  	[smem:$0x3FBA] =	sst s10  }
0x38: {  	s10 =	sld [smem:$0x3FBB]  }
0x39: {  	_ = 	snop;
	(pc) =	sbr.ind lr, $3  }
0x3a: {  	_ = 	snop  }
0x3b: {  	_ = 	snop  }
0x3c: {  	p2 =	seq.s32 s10, $0x1;
	s10 =	sld [smem:$0x3FBA]  }
0x3d: {  	_ =	shalt  }
0x3e: {  	_ =	shalt  }
0x3f: {  	_ =	shalt  }
0x40: {  	_ =	shalt  }
0x41: {  	_ =	shalt  }
0x42: {  	_ =	shalt  }
0x43: {  	_ =	shalt  }
0x44: {  	_ =	shalt  }
0x45: {  	_ =	shalt  }
0x46: {  	_ =	shalt  }
0x47: {  	_ =	shalt  }
0x48: {  	_ =	shalt  }
0x49: {  	_ =	shalt  }
0x4a: {  	_ =	shalt  }
0x4b: {  	_ =	shalt  }
0x4c: {  	_ =	shalt  }
0x4d: {  	_ =	shalt  }
0x4e: {  	_ =	shalt  }
0x4f: {  	_ =	shalt  }
0x50: {  	_ =	shalt  }
0x51: {  	_ =	shalt  }
0x52: {  	_ =	shalt  }
0x53: {  	_ =	shalt  }
0x54: {  	_ =	shalt  }
0x55: {  	_ =	shalt  }
0x56: {  	_ =	shalt  }
0x57: {  	_ =	shalt  }
0x58: {  	_ =	shalt  }
0x59: {  	_ =	shalt  }
0x5a: {  	_ =	shalt  }
0x5b: {  	_ =	shalt  }
0x5c: {  	_ =	shalt  }
0x5d: {  	_ =	shalt  }
0x5e: {  	_ =	shalt  }
0x5f: {  	_ =	shalt  }
0x60: {  	_ =	shalt  }
0x61: {  	_ =	shalt  }
0x62: {  	_ =	shalt  }
0x63: {  	_ =	shalt  }
0x64: {  	_ =	shalt  }
0x65: {  	_ =	shalt  }
0x66: {  	_ =	shalt  }
0x67: {  	_ =	shalt  }
0x68: {  	_ =	shalt  }
0x69: {  	_ =	shalt  }
0x6a: {  	_ =	shalt  }
0x6b: {  	_ =	shalt  }
0x6c: {  	_ =	shalt  }
0x6d: {  	_ =	shalt  }
0x6e: {  	_ =	shalt  }
0x6f: {  	_ =	shalt  }
0x70: {  	_ =	shalt  }
0x71: {  	_ =	shalt  }
0x72: {  	_ =	shalt  }
0x73: {  	_ =	shalt  }
0x74: {  	_ =	shalt  }
0x75: {  	_ =	shalt  }
0x76: {  	_ =	shalt  }
0x77: {  	_ =	shalt  }
0x78: {  	_ =	shalt  }
0x79: {  	_ =	shalt  }
0x7a: {  	_ =	shalt  }
0x7b: {  	_ =	shalt  }
0x7c: {  	_ =	shalt  }
0x7d: {  	_ =	shalt  }
0x7e: {  	_ =	shalt  }
0x7f: {  	_ =	shalt  }
0x80: {  	_ =	shalt  }
0x81: {  	_ =	shalt  }
0x82: {  	_ =	shalt  }
0x83: {  	_ =	shalt  }
0x84: {  	_ =	shalt  }
0x85: {  	_ =	shalt  }
0x86: {  	_ =	shalt  }
0x87: {  	_ =	shalt  }
.Lfunc_end0:
.L_simem_size_0:
called_computation_lowered:
.L_overlay_start_0:
0x88: {  	s2 =	sld [smem:$0x3FD9]  }
0x89: {  	s3 =	sld [smem:$0x3FFE];
	_ =	sdelay $0x1  }
0x8a: {  	s1 =	srdreg.scid  }
0x8b: {  	s0 =	sand.u32 $0x1, s1  }
0x8c: {  	s17 =	sshll.u32 s0, $0xA;
	s2 =	sadd.s32 s3, s2  }
0x8d: {  	s2 =	sadd.s32 s2, s17  }
0x8e: {  	[smem:$0x3FC6] =	sst s2  }
0x8f: {  	_ = 	snop  }
0x90: {  	s2 =	sld [smem:$0x3FC8]  }
0x91: {  	s18 =	sld [smem:$0x3FD0];
	(tm) =	ssettm $0x1  }
0x92: {  	s4 =	sld [smem:$0x3FFB];
	_ =	sdelay $0x3  }
0x93: {  	_ =	strace s4  }
0x94: {  	s4 =	sld [smem:$0x3FFC];
	_ =	sdelay $0x3  }
0x95: {  	_ =	strace s4  }
0x96: {  	s4 =	sld [smem:$0x3FFD];
	_ =	sdelay $0x3  }
0x97: {  	_ =	strace s4  }
0x98: {  	_ =	strace $0x8FFFFFFF  }
0x99: {  	s19 =	sld [smem:$0x3FDB];
	_ =	sdelay $0x1  }
0x9a: {  	s5 =	simm.s32 $_scs_section_size  }
0x9b: {  	s6 =	simm.s32 $_size__tile_overlayer_lowered;
	s7 =	simm.s32 $_tile_overlayer_lowered  }
0x9c: {  	s22 =	simm.s32 $0x1BFF;
	s21 =	sshll.u32 s7, $0x1;
	s4 =	sadd.s32 s5, s19  }
0x9d: {  	s8 =	simm.s32 $0x0;
	s20 =	sshll.u32 s6, $0x1;
	s6 =	sadd.s32 s21, s4  }
0x9e: {  	[timem:s8], [sflag:s22] =	dma.local [hbm:s6], s20  }
0x9f: {  	_ =	swait.ge [sflag:s22], s20  }
0xa0: {  	s5 =	ssub.s32 $0x0, s20;
	[sflag:s22] =	ssyncset.done $0x0  }
0xa1: {  	[sflag:s22] =	ssyncadd.s32 s5;
	_ =	sdelay $0x1  }
0xa2: {  	s23 =	simm.s32 $0x1B8B  }
0xa3: {  	_ =	swait.ge [sflag:s23], $0x1  }
0xa4: {  	[sflag:s23] =	ssyncset.done $0x0  }
0xa5: {  	s25 =	simm.s32 $0x1B8E;
	s24 =	sld [smem:$0x3FFE];
	[sflag:s23] =	ssyncadd.s32 $0xFFFFFFFF  }
0xa6: {  	s26 =	simm.s32 $execute0_lowered;
	[smem:$0x3FD2] =	sst s25  }
0xa7: {  	s6 =	sshll.u32 s26, $0x1;
	_ =	strace $0x80000046;
	[dreg:$0x1] =	wrdreg $0xFFFFFFFF  }
0xa8: {  	s28 =	simm.s32 $_size_execute0_lowered;
	s4 =	sadd.s32 s4, s6;
	[dreg:$0x0] =	wrdreg $0x0  }
0xa9: {  	s6 =	sshll.u32 s28, $0x1;
	[dreg:$0x2] =	wrdreg s4  }
0xaa: {  	[dreg:$0x3] =	wrdreg s6  }
0xab: {  	[dreg:$0x4] =	wrdreg $0xC0  }
0xac: {  	_ =	task [dreg:s8], $0x5FFFF  }
0xad: {  	[dreg:$0x1] =	wrdreg $0xFFFFFFFF  }
0xae: {  	[dreg:$0x0] =	wrdreg $0x60  }
0xaf: {  	[dreg:$0x2] =	wrdreg s18  }
0xb0: {  	[dreg:$0x3] =	wrdreg s2  }
0xb1: {  	[dreg:$0x4] =	wrdreg s24  }
0xb2: {  	[dreg:$0x5] =	wrdreg $0x9  }
0xb3: {  	_ =	task.clear_ibuf [dreg:s8], $0x6FFFF;
	_ =	strace $0x90000046  }
0xb4: {  	s29 =	simm.s32 $0x9;
	_ =	strace $0x80000048  }
0xb5: {  	_ =	swait.ge [sflag:s29], $0x1  }
0xb6: {  	[sflag:s29] =	ssyncadd.s32 $0xFFFFFFFF  }
0xb7: {  	_ =	strace $0x90000048  }
0xb8: {  	_ =	sfence  }
0xb9: {  	s30 =	sld [smem:$0x0];
	_ =	sdelay $0x2  }
0xba: {  	s31 =	sshll.u32 s1, $0xD;
	s1 =	sshrl.u32 s1, $0x2  }
0xbb: {  	s3 =	sand.u32 $0x4000, s31;
	s1 =	sadd.s32 s1, s30  }
0xbc: {  	s0 =	sor.u32 s3, s0;
	s1 =	sshll.u32 s1, $0x11  }
0xbd: {  	s0 =	sor.u32 s1, s0  }
0xbe: {  	s0 =	sadd.s32 $0x8F2B, s0  }
0xbf: {  	[sflag:s0] =	ssyncadd.remote.s32 $0x1  }
0xc0: {  	_ =	sfence.sel $0xFFFF  }
0xc1: {  	[dreg:$0x0] =	wrdreg $0xFFFFFFFF;
	(pc) =	sbr.abs _section_cstart, $3  }
0xc2: {  	[dreg:$0x1] =	wrdreg $0xFFFFFFFF  }
0xc3: {  	_ =	task.clear_ibuf [dreg:s8], $0x2FFFF;
	_ =	strace $0x9FFFFFFF  }
0xc4: {  	(tm) =	ssettm $0x7FFFFFFF  }
0xc5: {  	_ =	shalt  }
tec
execute0_lowered:
.L_overlay_start_1:
0x0: {  	(tag) =	ssettag $0x1  }
0x1: {  	s0 =	rddreg [dreg:$0x0]  }
0x2: {  	s1 =	rddreg [dreg:$0x1]  }
0x3: {  	s2 =	rddreg [dreg:$0x2];
	s3 =	simm.s32 $0x0  }
0x4: {  	s4 =	srdreg.scid;
	s7 =	stileid.u32;
	s9 =	simm.s32 $0x4000  }
0x5: {  	s11 =	simm.s32 $0x5C00;
	s13 =	simm.s32 $0x7800;
	s15 =	simm.s32 $0x9400  }
0x6: {  	s17 =	simm.s32 $0xB000;
	s19 =	simm.s32 $0xCC00;
	s21 =	simm.s32 $0xE800  }
0x7: {  	s23 =	simm.s32 $0x10400;
	s28 =	simm.s32 $0x4;
	s29 =	simm.s32 $0x5  }
0x8: {  	s30 =	simm.s32 $0x6;
	s31 =	simm.s32 $0x7;
	s14 =	simm.s32 $0xC  }
0x9: {  	s16 =	simm.s32 $0xD;
	s18 =	simm.s32 $0xE;
	s20 =	simm.s32 $0xF  }
0xa: {  	s22 =	simm.s32 $0x10;
	[smem:$0x7FF] =	sst s3;
	s4 =	sand.u32 $0x1, s4  }
0xb: {  	s5 =	smul.u32 $0x38000, s7;
	s7 =	sshll.u32 s7, $0xC;
	_ =	strace $0x80000047  }
0xc: {  	s6 =	ssub.s32 $0x2, s4;
	s8 =	sshll.u32 s4, $0xB;
	s4 =	smul.u32 $0x1C000, s4  }
0xd: {  	s2 =	sadd.s32 s5, s2;
	s24 =	sshrl.u32 s6, $0x1;
	s7 =	sor.u32 s8, s7  }
.Ltmp0:
0xe: {  	s8 =	simm.s32 $0x32;
	s5 =	ssub.s32 s6, s24;
	(pc) =	sbr.rel .LBB2_1-.Ltmp0, $4  }
0xf: {  	s0 =	sadd.s32 s0, s7;
	s25 =	sadd.s32 s4, s2;
	s24 =	simm.s32 $0x1  }
0x10: {  	s4 =	simm.s32 $0x0;
	[dreg:$0x4] =	wrdreg s0;
	s26 =	smax.u32 s5, $0x1  }
0x11: {  	s0 =	sadd.s32 $0x400, s25;
	s25 =	simm.s32 $0x2;
	[dreg:$0x5] =	wrdreg s26  }
0x12: {  	[dreg:$0x6] =	wrdreg s0;
	s26 =	simm.s32 $0x3;
	s0 =	simm.s32 $0x8  }
.LBB2_4:
0x13: {  	s2 =	simm.s32 $0x9  }
0x14: {  	_ =	swait.ge [sflag:s2], $0x1900  }
0x15: {  	[sflag:s2] =	ssyncset.done $0x0  }
0x16: {  	s7 =	simm.s32 $0xA;
	[sflag:s2] =	ssyncadd.s32 $0xFFFFE700  }
0x17: {  	_ =	swait.ge [sflag:s7], $0x1900  }
0x18: {  	[sflag:s7] =	ssyncset.done $0x0  }
0x19: {  	s10 =	simm.s32 $0xB;
	[sflag:s7] =	ssyncadd.s32 $0xFFFFE700  }
0x1a: {  	_ =	swait.ge [sflag:s10], $0x1900  }
0x1b: {  	[sflag:s10] =	ssyncset.done $0x0  }
0x1c: {  	[sflag:s10] =	ssyncadd.s32 $0xFFFFE700  }
0x1d: {  	_ =	swait.ge [sflag:s14], $0x1900  }
0x1e: {  	[sflag:s14] =	ssyncset.done $0x0  }
0x1f: {  	[sflag:s14] =	ssyncadd.s32 $0xFFFFE700  }
0x20: {  	_ =	swait.ge [sflag:s16], $0x1900  }
0x21: {  	[sflag:s16] =	ssyncset.done $0x0  }
0x22: {  	[sflag:s16] =	ssyncadd.s32 $0xFFFFE700  }
0x23: {  	_ =	swait.ge [sflag:s18], $0x1900  }
0x24: {  	[sflag:s18] =	ssyncset.done $0x0  }
0x25: {  	[sflag:s18] =	ssyncadd.s32 $0xFFFFE700  }
0x26: {  	_ =	swait.ge [sflag:s20], $0x1900  }
0x27: {  	[sflag:s20] =	ssyncset.done $0x0  }
0x28: {  	[sflag:s20] =	ssyncadd.s32 $0xFFFFE700  }
0x29: {  	_ =	swait.ge [sflag:s22], $0x1900  }
0x2a: {  	s4 =	sadd.s32 $0x1, s4;
	s12 =	rddreg [dreg:$0x5]  }
0x2b: {  	p0 =	sne.s32 s4, s12  }
.Ltmp1:
0x2c: {  	_ = 	snop;
	(pc) =	sbr.rel @!p0 .LBB2_5-.Ltmp1, $3  }
0x2d: {  	_ =	sdelay $0x1  }
0x2e: {  	[sflag:s22] =	ssyncset.done $0x0  }
0x2f: {  	[sflag:s22] =	ssyncadd.s32 $0xFFFFE700  }
.LBB2_1:
0x30: {  	s2 =	rddreg [dreg:$0x4];
	s7 =	simm.s32 $0x11  }
0x31: {  	[tilespmem:s3], [sflag:$0x11] =	stream.linear.gather [hbm4b:s2+s3], $0x4000, $0x38;
	[tilespmem:$0x12000] =	vst v63  }
0x32: {  	_ =	swait.ge [sflag:s7], $0x4000  }
0x33: {  	[sflag:s7] =	ssyncset.done $0x0  }
0x34: {  	[sflag:s7] =	ssyncadd.s32 $0xFFFFC000  }
0x35: {  	[tilespmem:s9], [sflag:$0x1] =	stream.indirect.gather [hbm4b:s1+s8], $0x80, s3, s8, $0xb8;
	[tilespmem:$0x12000] =	vst v63  }
0x36: {  	s10 =	simm.s32 $0x80  }
0x37: {  	[tilespmem:s11], [sflag:$0x2] =	stream.indirect.gather [hbm4b:s1+s8], $0x80, s10, s8, $0xb8;
	[tilespmem:$0x12000] =	vst v63  }
0x38: {  	s12 =	simm.s32 $0x100  }
0x39: {  	[tilespmem:s13], [sflag:$0x3] =	stream.indirect.gather [hbm4b:s1+s8], $0x80, s12, s8, $0xb8;
	[tilespmem:$0x12000] =	vst v63  }
0x3a: {  	s5 =	simm.s32 $0x180  }
0x3b: {  	[tilespmem:s15], [sflag:$0x4] =	stream.indirect.gather [hbm4b:s1+s8], $0x80, s5, s8, $0xb8;
	[tilespmem:$0x12000] =	vst v63  }
0x3c: {  	s6 =	simm.s32 $0x200  }
0x3d: {  	[tilespmem:s17], [sflag:$0x5] =	stream.indirect.gather [hbm4b:s1+s8], $0x80, s6, s8, $0xb8;
	[tilespmem:$0x12000] =	vst v63  }
0x3e: {  	s7 =	simm.s32 $0x280  }
0x3f: {  	[tilespmem:s19], [sflag:$0x6] =	stream.indirect.gather [hbm4b:s1+s8], $0x80, s7, s8, $0xb8;
	[tilespmem:$0x12000] =	vst v63  }
0x40: {  	s10 =	simm.s32 $0x300  }
0x41: {  	[tilespmem:s21], [sflag:$0x7] =	stream.indirect.gather [hbm4b:s1+s8], $0x80, s10, s8, $0xb8;
	[tilespmem:$0x12000] =	vst v63  }
0x42: {  	s12 =	simm.s32 $0x380;
	s5 =	simm.s32 $0x0;
	s6 =	rddreg [dreg:$0x6]  }
0x43: {  	[tilespmem:s23], [sflag:$0x8] =	stream.indirect.gather [hbm4b:s1+s8], $0x80, s12, s8, $0xb8;
	[tilespmem:$0x12000] =	vst v63  }
.LBB2_2:
0x44: {  	_ =	swait.ge [sflag:s24], $0x1900  }
0x45: {  	p0 =	seq.s32 s5, $0xF000;
	[sflag:s24] =	ssyncset.done $0x0  }
0x46: {  	s2 =	simm.s32 @!p0 $0x9;
	[sflag:s24] =	ssyncadd.s32 $0xFFFFE700  }
0x47: {  	[hbm4b:s6+s3] =	stream.linear.scatter [tilespmem:s9], [sflag:$0x9], $0x1900, $0x38;
	[tilespmem:$0x12000] =	vst v63  }
0x48: {  	_ =	swait.ge @!p0 [sflag:s2], $0x1900  }
0x49: {  	s7 =	sshra.s32 @!p0 s5, $0x2;
	s12 =	simm.s32 @!p0 $0x4000;
	[sflag:s2] =	ssyncset.done @!p0 $0x0  }
0x4a: {  	s10 =	sadd.s32 @!p0 $0x400, s7;
	[sflag:s2] =	ssyncadd.s32 @!p0 $0xFFFFE700;
	s2 =	simm.s32 @!p0 $0x32  }
0x4b: {  	[tilespmem:s12], [sflag:$0x1] =	stream.indirect.gather @!p0 [hbm4b:s1+s2], $0x80, s10, s2, $0xb8;
	[tilespmem:$0x12000] =	vst v63  }
0x4c: {  	_ =	swait.ge [sflag:s25], $0x1900  }
0x4d: {  	[sflag:s25] =	ssyncset.done $0x0  }
0x4e: {  	s12 =	sadd.s32 $0x380, s6;
	s10 =	simm.s32 @!p0 $0xA;
	[sflag:s25] =	ssyncadd.s32 $0xFFFFE700  }
0x4f: {  	[hbm4b:s12+s3] =	stream.linear.scatter [tilespmem:s11], [sflag:$0xA], $0x1900, $0x38;
	[tilespmem:$0x12000] =	vst v63  }
0x50: {  	_ =	swait.ge @!p0 [sflag:s10], $0x1900  }
0x51: {  	[sflag:s10] =	ssyncset.done @!p0 $0x0  }
0x52: {  	s12 =	simm.s32 @!p0 $0x5C00;
	[sflag:s10] =	ssyncadd.s32 @!p0 $0xFFFFE700;
	s10 =	sadd.s32 @!p0 $0x480, s7  }
0x53: {  	[tilespmem:s12], [sflag:$0x2] =	stream.indirect.gather @!p0 [hbm4b:s1+s2], $0x80, s10, s2, $0xb8;
	[tilespmem:$0x12000] =	vst v63  }
0x54: {  	_ =	swait.ge [sflag:s26], $0x1900  }
0x55: {  	[sflag:s26] =	ssyncset.done $0x0  }
0x56: {  	s12 =	sadd.s32 $0x700, s6;
	s10 =	simm.s32 @!p0 $0xB;
	[sflag:s26] =	ssyncadd.s32 $0xFFFFE700  }
0x57: {  	[hbm4b:s12+s3] =	stream.linear.scatter [tilespmem:s13], [sflag:$0xB], $0x1900, $0x38;
	[tilespmem:$0x12000] =	vst v63  }
0x58: {  	_ =	swait.ge @!p0 [sflag:s10], $0x1900  }
0x59: {  	[sflag:s10] =	ssyncset.done @!p0 $0x0  }
0x5a: {  	s12 =	simm.s32 @!p0 $0x7800;
	[sflag:s10] =	ssyncadd.s32 @!p0 $0xFFFFE700;
	s10 =	sadd.s32 @!p0 $0x500, s7  }
0x5b: {  	[tilespmem:s12], [sflag:$0x3] =	stream.indirect.gather @!p0 [hbm4b:s1+s2], $0x80, s10, s2, $0xb8;
	[tilespmem:$0x12000] =	vst v63  }
0x5c: {  	_ =	swait.ge [sflag:s28], $0x1900  }
0x5d: {  	[sflag:s28] =	ssyncset.done $0x0  }
0x5e: {  	s12 =	sadd.s32 $0xA80, s6;
	s10 =	simm.s32 @!p0 $0xC;
	[sflag:s28] =	ssyncadd.s32 $0xFFFFE700  }
0x5f: {  	[hbm4b:s12+s3] =	stream.linear.scatter [tilespmem:s15], [sflag:$0xC], $0x1900, $0x38;
	[tilespmem:$0x12000] =	vst v63  }
0x60: {  	_ =	swait.ge @!p0 [sflag:s10], $0x1900  }
0x61: {  	[sflag:s10] =	ssyncset.done @!p0 $0x0  }
0x62: {  	s12 =	simm.s32 @!p0 $0x9400;
	[sflag:s10] =	ssyncadd.s32 @!p0 $0xFFFFE700;
	s10 =	sadd.s32 @!p0 $0x580, s7  }
0x63: {  	[tilespmem:s12], [sflag:$0x4] =	stream.indirect.gather @!p0 [hbm4b:s1+s2], $0x80, s10, s2, $0xb8;
	[tilespmem:$0x12000] =	vst v63  }
0x64: {  	_ =	swait.ge [sflag:s29], $0x1900  }
0x65: {  	[sflag:s29] =	ssyncset.done $0x0  }
0x66: {  	s12 =	sadd.s32 $0xE00, s6;
	s10 =	simm.s32 @!p0 $0xD;
	[sflag:s29] =	ssyncadd.s32 $0xFFFFE700  }
0x67: {  	[hbm4b:s12+s3] =	stream.linear.scatter [tilespmem:s17], [sflag:$0xD], $0x1900, $0x38;
	[tilespmem:$0x12000] =	vst v63  }
0x68: {  	_ =	swait.ge @!p0 [sflag:s10], $0x1900  }
0x69: {  	[sflag:s10] =	ssyncset.done @!p0 $0x0  }
0x6a: {  	s12 =	simm.s32 @!p0 $0xB000;
	[sflag:s10] =	ssyncadd.s32 @!p0 $0xFFFFE700;
	s10 =	sadd.s32 @!p0 $0x600, s7  }
0x6b: {  	[tilespmem:s12], [sflag:$0x5] =	stream.indirect.gather @!p0 [hbm4b:s1+s2], $0x80, s10, s2, $0xb8;
	[tilespmem:$0x12000] =	vst v63  }
0x6c: {  	_ =	swait.ge [sflag:s30], $0x1900  }
0x6d: {  	[sflag:s30] =	ssyncset.done $0x0  }
0x6e: {  	s12 =	sadd.s32 $0x1180, s6;
	s10 =	simm.s32 @!p0 $0xE;
	[sflag:s30] =	ssyncadd.s32 $0xFFFFE700  }
0x6f: {  	[hbm4b:s12+s3] =	stream.linear.scatter [tilespmem:s19], [sflag:$0xE], $0x1900, $0x38;
	[tilespmem:$0x12000] =	vst v63  }
0x70: {  	_ =	swait.ge @!p0 [sflag:s10], $0x1900  }
0x71: {  	[sflag:s10] =	ssyncset.done @!p0 $0x0  }
0x72: {  	s12 =	simm.s32 @!p0 $0xCC00;
	[sflag:s10] =	ssyncadd.s32 @!p0 $0xFFFFE700;
	s10 =	sadd.s32 @!p0 $0x680, s7  }
0x73: {  	[tilespmem:s12], [sflag:$0x6] =	stream.indirect.gather @!p0 [hbm4b:s1+s2], $0x80, s10, s2, $0xb8;
	[tilespmem:$0x12000] =	vst v63  }
0x74: {  	_ =	swait.ge [sflag:s31], $0x1900  }
0x75: {  	[sflag:s31] =	ssyncset.done $0x0  }
0x76: {  	s12 =	sadd.s32 $0x1500, s6;
	s10 =	simm.s32 @!p0 $0xF;
	[sflag:s31] =	ssyncadd.s32 $0xFFFFE700  }
0x77: {  	[hbm4b:s12+s3] =	stream.linear.scatter [tilespmem:s21], [sflag:$0xF], $0x1900, $0x38;
	[tilespmem:$0x12000] =	vst v63  }
0x78: {  	_ =	swait.ge @!p0 [sflag:s10], $0x1900  }
0x79: {  	[sflag:s10] =	ssyncset.done @!p0 $0x0  }
0x7a: {  	s7 =	sadd.s32 @!p0 $0x700, s7;
	[sflag:s10] =	ssyncadd.s32 @!p0 $0xFFFFE700;
	s10 =	simm.s32 @!p0 $0xE800  }
0x7b: {  	[tilespmem:s10], [sflag:$0x7] =	stream.indirect.gather @!p0 [hbm4b:s1+s2], $0x80, s7, s2, $0xb8;
	[tilespmem:$0x12000] =	vst v63  }
.Ltmp2:
0x7c: {  	_ = 	snop;
	(pc) =	sbr.rel @p0 .LBB2_4-.Ltmp2, $4  }
0x7d: {  	_ =	swait.ge [sflag:s0], $0x1900  }
0x7e: {  	[sflag:s0] =	ssyncset.done $0x0  }
0x7f: {  	s12 =	sadd.s32 $0x1880, s6;
	[sflag:s0] =	ssyncadd.s32 $0xFFFFE700  }
0x80: {  	[hbm4b:s12+s3] =	stream.linear.scatter [tilespmem:s23], [sflag:$0x10], $0x1900, $0x38;
	[tilespmem:$0x12000] =	vst v63  }
.Ltmp3:
0x81: {  	(pc) =	sbr.rel .LBB2_2-.Ltmp3, $4  }
0x82: {  	_ =	swait.ge [sflag:s22], $0x1900  }
0x83: {  	s2 =	sshra.s32 s5, $0x2;
	s5 =	sadd.s32 $0x1000, s5;
	[sflag:s22] =	ssyncset.done $0x0  }
0x84: {  	s6 =	sadd.s32 $0x1C00, s6;
	s2 =	sadd.s32 $0x780, s2;
	[sflag:s22] =	ssyncadd.s32 $0xFFFFE700  }
0x85: {  	[tilespmem:s23], [sflag:$0x8] =	stream.indirect.gather [hbm4b:s1+s8], $0x80, s2, s8, $0xb8;
	[tilespmem:$0x12000] =	vst v63  }
.LBB2_5:
0x86: {  	_ =	sfence.sel $0x180000  }
0x87: {  	[bflag:$0x0] =	sbarrier.arrive $0xFFFF  }
0x88: {  	_ =	strace $0x90000047  }
0x89: {  	s0 =	stileid.u32;
	[bflag:$0x2] =	sbarrier.arrive $0xFFFF  }
0x8a: {  	p0 =	sne.s32 s0, $0x0;
	s0 =	rddreg [dreg:$0x3]  }
0x8b: {  	s0 =	sadd.s32 @!p0 $0x100000, s0  }
0x8c: {  	[sflag:s0] =	ssyncadd.tile.s32 @!p0 $0x1;
	_ =	shalt  }
.Lfunc_end2:
_tile_overlayer_lowered:
.L_overlay_start_2:
0x8d: {  	(tag) =	ssettag $0x2  }
0x8e: {  	s0 =	rddreg [dreg:$0x0];
	s2 =	stileid.u32  }
0x8f: {  	s1 =	rddreg [dreg:$0x1];
	p0 =	sne.s32 s2, $0x0  }
0x90: {  	s3 =	rddreg [dreg:$0x2];
	[bflag:$0x3] =	sbarrier.arrive $0xFFFF;
	s2 =	simm.s32 @!p0 $0x1C11  }
0x91: {  	[timem:s3], [sflag:s2] =	dma.local @!p0 [hbm:s0], s1  }
0x92: {  	s0 =	simm.s32 @!p0 $0x11  }
0x93: {  	_ =	swait.ge @!p0 [sflag:s0], s1  }
0x94: {  	s1 =	ssub.s32 @!p0 $0x0, s1;
	[sflag:s0] =	ssyncset.done @!p0 $0x0  }
0x95: {  	[sflag:s0] =	ssyncadd.s32 @!p0 s1  }
0x96: {  	[bflag:$0x3] =	sbarrier.arrive $0xFFFF  }
0x97: {  	_ =	shalt  }

</sc_bundles>
